<compile_context>
chip_gen: v7x
topology: tpu7x:2x2x1
jax: 0.10.2.dev20260603
libtpu: 0.0.44.dev20260713+nightly
codegen_flags: <defaults>
</compile_context>

<pallas_src>
import functools

import jax
import jax.numpy as jnp
from jax import lax
from jax.experimental import pallas as pl
from jax.experimental.pallas import tpu as pltpu
from jax.experimental.pallas import tpu_sc as plsc

_GAMMA = 12.0
_LANES = 16


def _make_score_kernel(batch, hidden):
    info = plsc.get_sparse_core_info()
    nc, ns = 1, info.num_subcores
    nw = nc * ns
    assert batch % (2 * nw * _LANES) == 0 and hidden % _LANES == 0
    bpw = batch // nw
    half = bpw // 2
    ngrp = bpw // _LANES

    @functools.partial(
        pl.kernel,
        mesh=plsc.VectorSubcoreMesh(core_axis_name="c", subcore_axis_name="s",
                                    num_cores=nc, num_subcores=ns),
        out_type=jax.ShapeDtypeStruct((batch,), jnp.float32),
        compiler_params=pltpu.CompilerParams(needs_layout_passes=False),
        scratch_types=[
            pltpu.VMEM((2, 2 * half), jnp.int32),
            pltpu.VMEM((2, half), jnp.int32),
            pltpu.VMEM((2, 2 * half, hidden), jnp.float32),
            pltpu.VMEM((2, half, hidden), jnp.float32),
            pltpu.VMEM((bpw, _LANES), jnp.float32),
            pltpu.VMEM((bpw,), jnp.float32),
            pltpu.SemaphoreType.DMA,
            pltpu.SemaphoreType.DMA,
            pltpu.SemaphoreType.DMA,
            pltpu.SemaphoreType.DMA,
            pltpu.SemaphoreType.DMA,
        ],
    )
    def score(h_idx_hbm, r_idx_hbm, t_idx_hbm, ent_hbm, rel_hbm, out_hbm,
              ht_idx_v, r_idx_v, ht_v, r_v, acc_v, out_v,
              sem_i, sem_e0, sem_r0, sem_e1, sem_r1):
        wid = lax.axis_index("s") * nc + lax.axis_index("c")
        base = wid * bpw
        lane_ids = lax.iota(jnp.int32, _LANES)

        def fire(b, sem_e, sem_r):
            off = base + b * half
            i0 = pltpu.async_copy(h_idx_hbm.at[pl.ds(off, half)],
                                  ht_idx_v.at[b, pl.ds(0, half)], sem_i)
            i1 = pltpu.async_copy(t_idx_hbm.at[pl.ds(off, half)],
                                  ht_idx_v.at[b, pl.ds(half, half)], sem_i)
            i2 = pltpu.async_copy(r_idx_hbm.at[pl.ds(off, half)],
                                  r_idx_v.at[b], sem_i)
            i0.wait()
            i1.wait()
            ce = pltpu.async_copy(ent_hbm.at[ht_idx_v.at[b]], ht_v.at[b], sem_e)
            i2.wait()
            cr = pltpu.async_copy(rel_hbm.at[r_idx_v.at[b]], r_v.at[b], sem_r)
            return ce, cr

        def compute(b):
            @plsc.parallel_loop(0, half, 1, unroll=1)
            def _stage1(i):
                acc = jnp.zeros((_LANES,), jnp.float32)
                for d in range(hidden // _LANES):
                    sl = pl.ds(d * _LANES, _LANES)
                    acc = acc + jnp.abs(ht_v[b, i, sl] + (r_v[b, i, sl] - ht_v[b, half + i, sl]))
                acc_v[b * half + i] = acc

        ce0, cr0 = fire(0, sem_e0, sem_r0)
        ce1, cr1 = fire(1, sem_e1, sem_r1)
        ce0.wait()
        cr0.wait()
        compute(0)
        ce1.wait()
        cr1.wait()
        compute(1)

        @plsc.parallel_loop(0, ngrp, 1, unroll=1)
        def _stage2(g):
            rows = lane_ids + g * _LANES
            tot = jnp.zeros((_LANES,), jnp.float32)
            for j in range(_LANES):
                cols = jnp.full((_LANES,), j, jnp.int32)
                tot = tot + plsc.load_gather(acc_v, [rows, cols])
            out_v[pl.ds(g * _LANES, _LANES)] = _GAMMA - tot
        pltpu.sync_copy(out_v, out_hbm.at[pl.ds(base, bpw)])

    return score


def kernel(positive_sample, negative_sample, mode, entity_embedding, relation_embedding):
    del negative_sample, mode
    batch = positive_sample.shape[0]
    hidden = entity_embedding.shape[1]
    h_idx = positive_sample[:, 0]
    r_idx = positive_sample[:, 1]
    t_idx = positive_sample[:, 2]
    score = _make_score_kernel(batch, hidden)
    out = score(h_idx, r_idx, t_idx, entity_embedding, relation_embedding)
    return out.reshape(batch, 1)

# --- scband reference (transcript-rebuilt; emitter-appended) ---
"""Pipeline reference for scband-tfkgemodel-84439057039573 (READ-ONLY COPY).

The authoritative reference and input builder live on the scoring server;
editing this copy changes nothing except your own understanding.
"""

import jax, jax.numpy as jnp
import numpy as np

NENTITY = 100000
NRELATION = 100000
HIDDEN_DIM = 128
GAMMA = 12.0
EPSILON = 2.0
EMB_RANGE = (GAMMA + EPSILON) / HIDDEN_DIM
BATCH = 1024
NEG = 256


def setup_inputs(seed: int = 0) -> dict:
    key = jax.random.key(seed)
    k1, k2, k3, k4 = jax.random.split(key, 4)
    entity_embedding = jax.random.uniform(k1, (NENTITY, HIDDEN_DIM), minval=-EMB_RANGE, maxval=EMB_RANGE, dtype=jnp.float32)
    relation_embedding = jax.random.uniform(k2, (NRELATION, HIDDEN_DIM), minval=-EMB_RANGE, maxval=EMB_RANGE, dtype=jnp.float32)
    positive_sample = jax.random.randint(k3, (BATCH, 3), 0, NENTITY, dtype=jnp.int32)
    negative_sample = jax.random.randint(k4, (BATCH, NEG), 0, NENTITY, dtype=jnp.int32)
    mode = 0
    return {"positive_sample": positive_sample, "negative_sample": negative_sample, "mode": mode, "entity_embedding": entity_embedding, "relation_embedding": relation_embedding}


def _transe_score(head, relation, tail, mode):
    # TransE: gamma - || h + r - t ||_1 ; head-batch vs tail-batch is
    # mathematically identical grouping, kept faithful.
    score = jnp.where(mode == 0, head + (relation - tail), (head + relation) - tail)
    return GAMMA - jnp.sum(jnp.abs(score), axis=2)


def reference(positive_sample, negative_sample, mode, entity_embedding, relation_embedding):
    # positive_call: single-mode scoring of (h, r, t) triples.
    head = jnp.take(entity_embedding, positive_sample[:, 0], axis=0)[:, None, :]
    relation = jnp.take(relation_embedding, positive_sample[:, 1], axis=0)[:, None, :]
    tail = jnp.take(entity_embedding, positive_sample[:, 2], axis=0)[:, None, :]
    positive_score = _transe_score(head, relation, tail, mode)
    return positive_score

if __name__ == "__main__":
    import jax
    _d = setup_inputs()
    print(jax.jit(kernel)(*tuple(_d.values())))

</pallas_src>

<mosaic_0001>
#map = affine_map<(d0, d1) -> (0)>
#map1 = affine_map<(d0, d1) -> (0, 0)>
module attributes {stable_mosaic.version = 14 : i64} {
  func.func @score(%arg0: i32, %arg1: i32, %arg2: memref<1024xi32, #tpu.memory_space<hbm>>, %arg3: memref<1024xi32, #tpu.memory_space<hbm>>, %arg4: memref<1024xi32, #tpu.memory_space<hbm>>, %arg5: memref<100000x128xf32, #tpu.memory_space<hbm>>, %arg6: memref<100000x128xf32, #tpu.memory_space<hbm>>, %arg7: memref<1024xf32, #tpu.memory_space<hbm>>, %arg8: memref<2x64xi32, #tpu.memory_space<vmem>>, %arg9: memref<2x32xi32, #tpu.memory_space<vmem>>, %arg10: memref<2x64x128xf32, #tpu.memory_space<vmem>>, %arg11: memref<2x32x128xf32, #tpu.memory_space<vmem>>, %arg12: memref<64x16xf32, #tpu.memory_space<vmem>>, %arg13: memref<64xf32, #tpu.memory_space<vmem>>, %arg14: memref<!tpu.dma_semaphore, #tpu.memory_space<semaphore_mem>>, %arg15: memref<!tpu.dma_semaphore, #tpu.memory_space<semaphore_mem>>, %arg16: memref<!tpu.dma_semaphore, #tpu.memory_space<semaphore_mem>>, %arg17: memref<!tpu.dma_semaphore, #tpu.memory_space<semaphore_mem>>, %arg18: memref<!tpu.dma_semaphore, #tpu.memory_space<semaphore_mem>>) attributes {dimension_semantics = [#tpu.dimension_semantics<core_parallel>, #tpu.dimension_semantics<subcore_parallel>], iteration_bounds = array<i64: 1, 16>, scalar_prefetch = 0 : i64, scratch_operands = 11 : i64, tpu.core_type = #tpu.core_type<sc_vector_subcore>, window_params = [{transform_indices = #map}, {transform_indices = #map}, {transform_indices = #map}, {transform_indices = #map1}, {transform_indices = #map1}, {transform_indices = #map}]} {
    %mul3A = arith.constant 1 : i32
    %mul3A_0 = arith.muli %arg1, %mul3A : i32
    %add3A = arith.addi %mul3A_0, %arg0 : i32
    %mul3A_1 = arith.constant 64 : i32
    %mul3A_2 = arith.muli %add3A, %mul3A_1 : i32
    %iota3A = tpu.iota {dimensions = array<i32: 0>} : vector<16xi32>
    %add3A_3 = arith.constant 0 : i32
    %add3A_4 = arith.addi %mul3A_2, %add3A_3 : i32
    %dma_start3A = arith.constant 0 : i32
    %dma_start3A_5 = arith.constant 0 : i32
    %dma_start3A_6 = tpu.memref_slice %arg8[%dma_start3A, %dma_start3A_5] : memref<2x64xi32, #tpu.memory_space<vmem>> -> memref<1x32xi32, #tpu.memory_space<vmem>>
    %dma_start3A_7 = tpu.memref_squeeze %dma_start3A_6 : memref<1x32xi32, #tpu.memory_space<vmem>> -> memref<32xi32, #tpu.memory_space<vmem>>
    %dma_start3A_8 = tpu.memref_slice %arg2[%add3A_4] : memref<1024xi32, #tpu.memory_space<hbm>> -> memref<32xi32, #tpu.memory_space<hbm>>
    %dma_start3A_9 = arith.constant 0 : i32
    %dma_start3A_10 = tpu.memref_slice %arg8[%dma_start3A, %dma_start3A_9] : memref<2x64xi32, #tpu.memory_space<vmem>> -> memref<1x32xi32, #tpu.memory_space<vmem>>
    %dma_start3A_11 = tpu.memref_squeeze %dma_start3A_10 : memref<1x32xi32, #tpu.memory_space<vmem>> -> memref<32xi32, #tpu.memory_space<vmem>>
    %dma_start3A_12 = tpu.memref_slice %arg2[%add3A_4] : memref<1024xi32, #tpu.memory_space<hbm>> -> memref<32xi32, #tpu.memory_space<hbm>>
    tpu.enqueue_dma source(%dma_start3A_12 : memref<32xi32, #tpu.memory_space<hbm>>) target(%dma_start3A_11 : memref<32xi32, #tpu.memory_space<vmem>>) target_semaphore(%arg14 : memref<!tpu.dma_semaphore, #tpu.memory_space<semaphore_mem>>)
    %dma_start3A_13 = arith.constant 0 : i32
    %dma_start3A_14 = arith.constant 32 : i32
    %dma_start3A_15 = tpu.memref_slice %arg8[%dma_start3A_13, %dma_start3A_14] : memref<2x64xi32, #tpu.memory_space<vmem>> -> memref<1x32xi32, #tpu.memory_space<vmem>>
    %dma_start3A_16 = tpu.memref_squeeze %dma_start3A_15 : memref<1x32xi32, #tpu.memory_space<vmem>> -> memref<32xi32, #tpu.memory_space<vmem>>
    %dma_start3A_17 = tpu.memref_slice %arg4[%add3A_4] : memref<1024xi32, #tpu.memory_space<hbm>> -> memref<32xi32, #tpu.memory_space<hbm>>
    %dma_start3A_18 = arith.constant 32 : i32
    %dma_start3A_19 = tpu.memref_slice %arg8[%dma_start3A_13, %dma_start3A_18] : memref<2x64xi32, #tpu.memory_space<vmem>> -> memref<1x32xi32, #tpu.memory_space<vmem>>
    %dma_start3A_20 = tpu.memref_squeeze %dma_start3A_19 : memref<1x32xi32, #tpu.memory_space<vmem>> -> memref<32xi32, #tpu.memory_space<vmem>>
    %dma_start3A_21 = tpu.memref_slice %arg4[%add3A_4] : memref<1024xi32, #tpu.memory_space<hbm>> -> memref<32xi32, #tpu.memory_space<hbm>>
    tpu.enqueue_dma source(%dma_start3A_21 : memref<32xi32, #tpu.memory_space<hbm>>) target(%dma_start3A_20 : memref<32xi32, #tpu.memory_space<vmem>>) target_semaphore(%arg14 : memref<!tpu.dma_semaphore, #tpu.memory_space<semaphore_mem>>)
    %dma_start3A_22 = arith.constant 0 : i32
    %dma_start3A_23 = arith.constant 0 : i32
    %dma_start3A_24 = tpu.memref_slice %arg9[%dma_start3A_22, %dma_start3A_23] : memref<2x32xi32, #tpu.memory_space<vmem>> -> memref<1x32xi32, #tpu.memory_space<vmem>>
    %dma_start3A_25 = tpu.memref_squeeze %dma_start3A_24 : memref<1x32xi32, #tpu.memory_space<vmem>> -> memref<32xi32, #tpu.memory_space<vmem>>
    %dma_start3A_26 = tpu.memref_slice %arg3[%add3A_4] : memref<1024xi32, #tpu.memory_space<hbm>> -> memref<32xi32, #tpu.memory_space<hbm>>
    %dma_start3A_27 = arith.constant 0 : i32
    %dma_start3A_28 = tpu.memref_slice %arg9[%dma_start3A_22, %dma_start3A_27] : memref<2x32xi32, #tpu.memory_space<vmem>> -> memref<1x32xi32, #tpu.memory_space<vmem>>
    %dma_start3A_29 = tpu.memref_squeeze %dma_start3A_28 : memref<1x32xi32, #tpu.memory_space<vmem>> -> memref<32xi32, #tpu.memory_space<vmem>>
    %dma_start3A_30 = tpu.memref_slice %arg3[%add3A_4] : memref<1024xi32, #tpu.memory_space<hbm>> -> memref<32xi32, #tpu.memory_space<hbm>>
    tpu.enqueue_dma source(%dma_start3A_30 : memref<32xi32, #tpu.memory_space<hbm>>) target(%dma_start3A_29 : memref<32xi32, #tpu.memory_space<vmem>>) target_semaphore(%arg14 : memref<!tpu.dma_semaphore, #tpu.memory_space<semaphore_mem>>)
    %dma_wait3A = arith.constant 0 : i32
    %dma_wait3A_31 = arith.constant 0 : i32
    %dma_wait3A_32 = tpu.memref_slice %arg8[%dma_wait3A, %dma_wait3A_31] : memref<2x64xi32, #tpu.memory_space<vmem>> -> memref<1x32xi32, #tpu.memory_space<vmem>>
    %dma_wait3A_33 = tpu.memref_squeeze %dma_wait3A_32 : memref<1x32xi32, #tpu.memory_space<vmem>> -> memref<32xi32, #tpu.memory_space<vmem>>
    %dma_wait3A_34 = tpu.memref_slice %arg2[%add3A_4] : memref<1024xi32, #tpu.memory_space<hbm>> -> memref<32xi32, #tpu.memory_space<hbm>>
    %dma_wait3A_35 = arith.constant 0 : i32
    %dma_wait3A_36 = tpu.memref_slice %arg8[%dma_wait3A, %dma_wait3A_35] : memref<2x64xi32, #tpu.memory_space<vmem>> -> memref<1x32xi32, #tpu.memory_space<vmem>>
    %dma_wait3A_37 = tpu.memref_squeeze %dma_wait3A_36 : memref<1x32xi32, #tpu.memory_space<vmem>> -> memref<32xi32, #tpu.memory_space<vmem>>
    %dma_wait3A_38 = tpu.memref_slice %arg2[%add3A_4] : memref<1024xi32, #tpu.memory_space<hbm>> -> memref<32xi32, #tpu.memory_space<hbm>>
    tpu.wait_dma2 semaphore(%arg14 : memref<!tpu.dma_semaphore, #tpu.memory_space<semaphore_mem>>) src(%dma_wait3A_38 : memref<32xi32, #tpu.memory_space<hbm>>) dst(%dma_wait3A_37 : memref<32xi32, #tpu.memory_space<vmem>>)
    %dma_wait3A_39 = arith.constant 0 : i32
    %dma_wait3A_40 = arith.constant 32 : i32
    %dma_wait3A_41 = tpu.memref_slice %arg8[%dma_wait3A_39, %dma_wait3A_40] : memref<2x64xi32, #tpu.memory_space<vmem>> -> memref<1x32xi32, #tpu.memory_space<vmem>>
    %dma_wait3A_42 = tpu.memref_squeeze %dma_wait3A_41 : memref<1x32xi32, #tpu.memory_space<vmem>> -> memref<32xi32, #tpu.memory_space<vmem>>
    %dma_wait3A_43 = tpu.memref_slice %arg4[%add3A_4] : memref<1024xi32, #tpu.memory_space<hbm>> -> memref<32xi32, #tpu.memory_space<hbm>>
    %dma_wait3A_44 = arith.constant 32 : i32
    %dma_wait3A_45 = tpu.memref_slice %arg8[%dma_wait3A_39, %dma_wait3A_44] : memref<2x64xi32, #tpu.memory_space<vmem>> -> memref<1x32xi32, #tpu.memory_space<vmem>>
    %dma_wait3A_46 = tpu.memref_squeeze %dma_wait3A_45 : memref<1x32xi32, #tpu.memory_space<vmem>> -> memref<32xi32, #tpu.memory_space<vmem>>
    %dma_wait3A_47 = tpu.memref_slice %arg4[%add3A_4] : memref<1024xi32, #tpu.memory_space<hbm>> -> memref<32xi32, #tpu.memory_space<hbm>>
    tpu.wait_dma2 semaphore(%arg14 : memref<!tpu.dma_semaphore, #tpu.memory_space<semaphore_mem>>) src(%dma_wait3A_47 : memref<32xi32, #tpu.memory_space<hbm>>) dst(%dma_wait3A_46 : memref<32xi32, #tpu.memory_space<vmem>>)
    %dma_start3A_48 = arith.constant 0 : i32
    %dma_start3A_49 = arith.constant 0 : i32
    %dma_start3A_50 = arith.constant 0 : i32
    %dma_start3A_51 = arith.constant 0 : i32
    %dma_start3A_52 = tpu.memref_slice %arg10[%dma_start3A_49, %dma_start3A_50, %dma_start3A_51] : memref<2x64x128xf32, #tpu.memory_space<vmem>> -> memref<1x64x128xf32, #tpu.memory_space<vmem>>
    %dma_start3A_53 = tpu.memref_squeeze %dma_start3A_52 : memref<1x64x128xf32, #tpu.memory_space<vmem>> -> memref<64x128xf32, #tpu.memory_space<vmem>>
    %dma_start3A_54 = arith.constant 0 : i32
    %dma_start3A_55 = tpu.memref_slice %arg8[%dma_start3A_48, %dma_start3A_54] : memref<2x64xi32, #tpu.memory_space<vmem>> -> memref<1x64xi32, #tpu.memory_space<vmem>>
    %dma_start3A_56 = tpu.memref_squeeze %dma_start3A_55 : memref<1x64xi32, #tpu.memory_space<vmem>> -> memref<64xi32, #tpu.memory_space<vmem>>
    %dma_start3A_57 = arith.constant 0 : i32
    %dma_start3A_58 = arith.constant 0 : i32
    %dma_start3A_59 = tpu.memref_slice %arg5[%dma_start3A_57, %dma_start3A_58] : memref<100000x128xf32, #tpu.memory_space<hbm>> -> memref<100000x128xf32, #tpu.memory_space<hbm>>
    tpu.enqueue_indirect_dma source(%dma_start3A_59 : memref<100000x128xf32, #tpu.memory_space<hbm>>) target(%dma_start3A_53 : memref<64x128xf32, #tpu.memory_space<vmem>>) offsets(%dma_start3A_56 : memref<64xi32, #tpu.memory_space<vmem>>) semaphore(%arg15 : memref<!tpu.dma_semaphore, #tpu.memory_space<semaphore_mem>>)
    %dma_wait3A_60 = arith.constant 0 : i32
    %dma_wait3A_61 = arith.constant 0 : i32
    %dma_wait3A_62 = tpu.memref_slice %arg9[%dma_wait3A_60, %dma_wait3A_61] : memref<2x32xi32, #tpu.memory_space<vmem>> -> memref<1x32xi32, #tpu.memory_space<vmem>>
    %dma_wait3A_63 = tpu.memref_squeeze %dma_wait3A_62 : memref<1x32xi32, #tpu.memory_space<vmem>> -> memref<32xi32, #tpu.memory_space<vmem>>
    %dma_wait3A_64 = tpu.memref_slice %arg3[%add3A_4] : memref<1024xi32, #tpu.memory_space<hbm>> -> memref<32xi32, #tpu.memory_space<hbm>>
    %dma_wait3A_65 = arith.constant 0 : i32
    %dma_wait3A_66 = tpu.memref_slice %arg9[%dma_wait3A_60, %dma_wait3A_65] : memref<2x32xi32, #tpu.memory_space<vmem>> -> memref<1x32xi32, #tpu.memory_space<vmem>>
    %dma_wait3A_67 = tpu.memref_squeeze %dma_wait3A_66 : memref<1x32xi32, #tpu.memory_space<vmem>> -> memref<32xi32, #tpu.memory_space<vmem>>
    %dma_wait3A_68 = tpu.memref_slice %arg3[%add3A_4] : memref<1024xi32, #tpu.memory_space<hbm>> -> memref<32xi32, #tpu.memory_space<hbm>>
    tpu.wait_dma2 semaphore(%arg14 : memref<!tpu.dma_semaphore, #tpu.memory_space<semaphore_mem>>) src(%dma_wait3A_68 : memref<32xi32, #tpu.memory_space<hbm>>) dst(%dma_wait3A_67 : memref<32xi32, #tpu.memory_space<vmem>>)
    %dma_start3A_69 = arith.constant 0 : i32
    %dma_start3A_70 = arith.constant 0 : i32
    %dma_start3A_71 = arith.constant 0 : i32
    %dma_start3A_72 = arith.constant 0 : i32
    %dma_start3A_73 = tpu.memref_slice %arg11[%dma_start3A_70, %dma_start3A_71, %dma_start3A_72] : memref<2x32x128xf32, #tpu.memory_space<vmem>> -> memref<1x32x128xf32, #tpu.memory_space<vmem>>
    %dma_start3A_74 = tpu.memref_squeeze %dma_start3A_73 : memref<1x32x128xf32, #tpu.memory_space<vmem>> -> memref<32x128xf32, #tpu.memory_space<vmem>>
    %dma_start3A_75 = arith.constant 0 : i32
    %dma_start3A_76 = tpu.memref_slice %arg9[%dma_start3A_69, %dma_start3A_75] : memref<2x32xi32, #tpu.memory_space<vmem>> -> memref<1x32xi32, #tpu.memory_space<vmem>>
    %dma_start3A_77 = tpu.memref_squeeze %dma_start3A_76 : memref<1x32xi32, #tpu.memory_space<vmem>> -> memref<32xi32, #tpu.memory_space<vmem>>
    %dma_start3A_78 = arith.constant 0 : i32
    %dma_start3A_79 = arith.constant 0 : i32
    %dma_start3A_80 = tpu.memref_slice %arg6[%dma_start3A_78, %dma_start3A_79] : memref<100000x128xf32, #tpu.memory_space<hbm>> -> memref<100000x128xf32, #tpu.memory_space<hbm>>
    tpu.enqueue_indirect_dma source(%dma_start3A_80 : memref<100000x128xf32, #tpu.memory_space<hbm>>) target(%dma_start3A_74 : memref<32x128xf32, #tpu.memory_space<vmem>>) offsets(%dma_start3A_77 : memref<32xi32, #tpu.memory_space<vmem>>) semaphore(%arg16 : memref<!tpu.dma_semaphore, #tpu.memory_space<semaphore_mem>>)
    %add3A_81 = arith.constant 32 : i32
    %add3A_82 = arith.addi %mul3A_2, %add3A_81 : i32
    %dma_start3A_83 = arith.constant 1 : i32
    %dma_start3A_84 = arith.constant 0 : i32
    %dma_start3A_85 = tpu.memref_slice %arg8[%dma_start3A_83, %dma_start3A_84] : memref<2x64xi32, #tpu.memory_space<vmem>> -> memref<1x32xi32, #tpu.memory_space<vmem>>
    %dma_start3A_86 = tpu.memref_squeeze %dma_start3A_85 : memref<1x32xi32, #tpu.memory_space<vmem>> -> memref<32xi32, #tpu.memory_space<vmem>>
    %dma_start3A_87 = tpu.memref_slice %arg2[%add3A_82] : memref<1024xi32, #tpu.memory_space<hbm>> -> memref<32xi32, #tpu.memory_space<hbm>>
    %dma_start3A_88 = arith.constant 0 : i32
    %dma_start3A_89 = tpu.memref_slice %arg8[%dma_start3A_83, %dma_start3A_88] : memref<2x64xi32, #tpu.memory_space<vmem>> -> memref<1x32xi32, #tpu.memory_space<vmem>>
    %dma_start3A_90 = tpu.memref_squeeze %dma_start3A_89 : memref<1x32xi32, #tpu.memory_space<vmem>> -> memref<32xi32, #tpu.memory_space<vmem>>
    %dma_start3A_91 = tpu.memref_slice %arg2[%add3A_82] : memref<1024xi32, #tpu.memory_space<hbm>> -> memref<32xi32, #tpu.memory_space<hbm>>
    tpu.enqueue_dma source(%dma_start3A_91 : memref<32xi32, #tpu.memory_space<hbm>>) target(%dma_start3A_90 : memref<32xi32, #tpu.memory_space<vmem>>) target_semaphore(%arg14 : memref<!tpu.dma_semaphore, #tpu.memory_space<semaphore_mem>>)
    %dma_start3A_92 = arith.constant 1 : i32
    %dma_start3A_93 = arith.constant 32 : i32
    %dma_start3A_94 = tpu.memref_slice %arg8[%dma_start3A_92, %dma_start3A_93] : memref<2x64xi32, #tpu.memory_space<vmem>> -> memref<1x32xi32, #tpu.memory_space<vmem>>
    %dma_start3A_95 = tpu.memref_squeeze %dma_start3A_94 : memref<1x32xi32, #tpu.memory_space<vmem>> -> memref<32xi32, #tpu.memory_space<vmem>>
    %dma_start3A_96 = tpu.memref_slice %arg4[%add3A_82] : memref<1024xi32, #tpu.memory_space<hbm>> -> memref<32xi32, #tpu.memory_space<hbm>>
    %dma_start3A_97 = arith.constant 32 : i32
    %dma_start3A_98 = tpu.memref_slice %arg8[%dma_start3A_92, %dma_start3A_97] : memref<2x64xi32, #tpu.memory_space<vmem>> -> memref<1x32xi32, #tpu.memory_space<vmem>>
    %dma_start3A_99 = tpu.memref_squeeze %dma_start3A_98 : memref<1x32xi32, #tpu.memory_space<vmem>> -> memref<32xi32, #tpu.memory_space<vmem>>
    %dma_start3A_100 = tpu.memref_slice %arg4[%add3A_82] : memref<1024xi32, #tpu.memory_space<hbm>> -> memref<32xi32, #tpu.memory_space<hbm>>
    tpu.enqueue_dma source(%dma_start3A_100 : memref<32xi32, #tpu.memory_space<hbm>>) target(%dma_start3A_99 : memref<32xi32, #tpu.memory_space<vmem>>) target_semaphore(%arg14 : memref<!tpu.dma_semaphore, #tpu.memory_space<semaphore_mem>>)
    %dma_start3A_101 = arith.constant 1 : i32
    %dma_start3A_102 = arith.constant 0 : i32
    %dma_start3A_103 = tpu.memref_slice %arg9[%dma_start3A_101, %dma_start3A_102] : memref<2x32xi32, #tpu.memory_space<vmem>> -> memref<1x32xi32, #tpu.memory_space<vmem>>
    %dma_start3A_104 = tpu.memref_squeeze %dma_start3A_103 : memref<1x32xi32, #tpu.memory_space<vmem>> -> memref<32xi32, #tpu.memory_space<vmem>>
    %dma_start3A_105 = tpu.memref_slice %arg3[%add3A_82] : memref<1024xi32, #tpu.memory_space<hbm>> -> memref<32xi32, #tpu.memory_space<hbm>>
    %dma_start3A_106 = arith.constant 0 : i32
    %dma_start3A_107 = tpu.memref_slice %arg9[%dma_start3A_101, %dma_start3A_106] : memref<2x32xi32, #tpu.memory_space<vmem>> -> memref<1x32xi32, #tpu.memory_space<vmem>>
    %dma_start3A_108 = tpu.memref_squeeze %dma_start3A_107 : memref<1x32xi32, #tpu.memory_space<vmem>> -> memref<32xi32, #tpu.memory_space<vmem>>
    %dma_start3A_109 = tpu.memref_slice %arg3[%add3A_82] : memref<1024xi32, #tpu.memory_space<hbm>> -> memref<32xi32, #tpu.memory_space<hbm>>
    tpu.enqueue_dma source(%dma_start3A_109 : memref<32xi32, #tpu.memory_space<hbm>>) target(%dma_start3A_108 : memref<32xi32, #tpu.memory_space<vmem>>) target_semaphore(%arg14 : memref<!tpu.dma_semaphore, #tpu.memory_space<semaphore_mem>>)
    %dma_wait3A_110 = arith.constant 1 : i32
    %dma_wait3A_111 = arith.constant 0 : i32
    %dma_wait3A_112 = tpu.memref_slice %arg8[%dma_wait3A_110, %dma_wait3A_111] : memref<2x64xi32, #tpu.memory_space<vmem>> -> memref<1x32xi32, #tpu.memory_space<vmem>>
    %dma_wait3A_113 = tpu.memref_squeeze %dma_wait3A_112 : memref<1x32xi32, #tpu.memory_space<vmem>> -> memref<32xi32, #tpu.memory_space<vmem>>
    %dma_wait3A_114 = tpu.memref_slice %arg2[%add3A_82] : memref<1024xi32, #tpu.memory_space<hbm>> -> memref<32xi32, #tpu.memory_space<hbm>>
    %dma_wait3A_115 = arith.constant 0 : i32
    %dma_wait3A_116 = tpu.memref_slice %arg8[%dma_wait3A_110, %dma_wait3A_115] : memref<2x64xi32, #tpu.memory_space<vmem>> -> memref<1x32xi32, #tpu.memory_space<vmem>>
    %dma_wait3A_117 = tpu.memref_squeeze %dma_wait3A_116 : memref<1x32xi32, #tpu.memory_space<vmem>> -> memref<32xi32, #tpu.memory_space<vmem>>
    %dma_wait3A_118 = tpu.memref_slice %arg2[%add3A_82] : memref<1024xi32, #tpu.memory_space<hbm>> -> memref<32xi32, #tpu.memory_space<hbm>>
    tpu.wait_dma2 semaphore(%arg14 : memref<!tpu.dma_semaphore, #tpu.memory_space<semaphore_mem>>) src(%dma_wait3A_118 : memref<32xi32, #tpu.memory_space<hbm>>) dst(%dma_wait3A_117 : memref<32xi32, #tpu.memory_space<vmem>>)
    %dma_wait3A_119 = arith.constant 1 : i32
    %dma_wait3A_120 = arith.constant 32 : i32
    %dma_wait3A_121 = tpu.memref_slice %arg8[%dma_wait3A_119, %dma_wait3A_120] : memref<2x64xi32, #tpu.memory_space<vmem>> -> memref<1x32xi32, #tpu.memory_space<vmem>>
    %dma_wait3A_122 = tpu.memref_squeeze %dma_wait3A_121 : memref<1x32xi32, #tpu.memory_space<vmem>> -> memref<32xi32, #tpu.memory_space<vmem>>
    %dma_wait3A_123 = tpu.memref_slice %arg4[%add3A_82] : memref<1024xi32, #tpu.memory_space<hbm>> -> memref<32xi32, #tpu.memory_space<hbm>>
    %dma_wait3A_124 = arith.constant 32 : i32
    %dma_wait3A_125 = tpu.memref_slice %arg8[%dma_wait3A_119, %dma_wait3A_124] : memref<2x64xi32, #tpu.memory_space<vmem>> -> memref<1x32xi32, #tpu.memory_space<vmem>>
    %dma_wait3A_126 = tpu.memref_squeeze %dma_wait3A_125 : memref<1x32xi32, #tpu.memory_space<vmem>> -> memref<32xi32, #tpu.memory_space<vmem>>
    %dma_wait3A_127 = tpu.memref_slice %arg4[%add3A_82] : memref<1024xi32, #tpu.memory_space<hbm>> -> memref<32xi32, #tpu.memory_space<hbm>>
    tpu.wait_dma2 semaphore(%arg14 : memref<!tpu.dma_semaphore, #tpu.memory_space<semaphore_mem>>) src(%dma_wait3A_127 : memref<32xi32, #tpu.memory_space<hbm>>) dst(%dma_wait3A_126 : memref<32xi32, #tpu.memory_space<vmem>>)
    %dma_start3A_128 = arith.constant 1 : i32
    %dma_start3A_129 = arith.constant 1 : i32
    %dma_start3A_130 = arith.constant 0 : i32
    %dma_start3A_131 = arith.constant 0 : i32
    %dma_start3A_132 = tpu.memref_slice %arg10[%dma_start3A_129, %dma_start3A_130, %dma_start3A_131] : memref<2x64x128xf32, #tpu.memory_space<vmem>> -> memref<1x64x128xf32, #tpu.memory_space<vmem>>
    %dma_start3A_133 = tpu.memref_squeeze %dma_start3A_132 : memref<1x64x128xf32, #tpu.memory_space<vmem>> -> memref<64x128xf32, #tpu.memory_space<vmem>>
    %dma_start3A_134 = arith.constant 0 : i32
    %dma_start3A_135 = tpu.memref_slice %arg8[%dma_start3A_128, %dma_start3A_134] : memref<2x64xi32, #tpu.memory_space<vmem>> -> memref<1x64xi32, #tpu.memory_space<vmem>>
    %dma_start3A_136 = tpu.memref_squeeze %dma_start3A_135 : memref<1x64xi32, #tpu.memory_space<vmem>> -> memref<64xi32, #tpu.memory_space<vmem>>
    %dma_start3A_137 = arith.constant 0 : i32
    %dma_start3A_138 = arith.constant 0 : i32
    %dma_start3A_139 = tpu.memref_slice %arg5[%dma_start3A_137, %dma_start3A_138] : memref<100000x128xf32, #tpu.memory_space<hbm>> -> memref<100000x128xf32, #tpu.memory_space<hbm>>
    tpu.enqueue_indirect_dma source(%dma_start3A_139 : memref<100000x128xf32, #tpu.memory_space<hbm>>) target(%dma_start3A_133 : memref<64x128xf32, #tpu.memory_space<vmem>>) offsets(%dma_start3A_136 : memref<64xi32, #tpu.memory_space<vmem>>) semaphore(%arg17 : memref<!tpu.dma_semaphore, #tpu.memory_space<semaphore_mem>>)
    %dma_wait3A_140 = arith.constant 1 : i32
    %dma_wait3A_141 = arith.constant 0 : i32
    %dma_wait3A_142 = tpu.memref_slice %arg9[%dma_wait3A_140, %dma_wait3A_141] : memref<2x32xi32, #tpu.memory_space<vmem>> -> memref<1x32xi32, #tpu.memory_space<vmem>>
    %dma_wait3A_143 = tpu.memref_squeeze %dma_wait3A_142 : memref<1x32xi32, #tpu.memory_space<vmem>> -> memref<32xi32, #tpu.memory_space<vmem>>
    %dma_wait3A_144 = tpu.memref_slice %arg3[%add3A_82] : memref<1024xi32, #tpu.memory_space<hbm>> -> memref<32xi32, #tpu.memory_space<hbm>>
    %dma_wait3A_145 = arith.constant 0 : i32
    %dma_wait3A_146 = tpu.memref_slice %arg9[%dma_wait3A_140, %dma_wait3A_145] : memref<2x32xi32, #tpu.memory_space<vmem>> -> memref<1x32xi32, #tpu.memory_space<vmem>>
    %dma_wait3A_147 = tpu.memref_squeeze %dma_wait3A_146 : memref<1x32xi32, #tpu.memory_space<vmem>> -> memref<32xi32, #tpu.memory_space<vmem>>
    %dma_wait3A_148 = tpu.memref_slice %arg3[%add3A_82] : memref<1024xi32, #tpu.memory_space<hbm>> -> memref<32xi32, #tpu.memory_space<hbm>>
    tpu.wait_dma2 semaphore(%arg14 : memref<!tpu.dma_semaphore, #tpu.memory_space<semaphore_mem>>) src(%dma_wait3A_148 : memref<32xi32, #tpu.memory_space<hbm>>) dst(%dma_wait3A_147 : memref<32xi32, #tpu.memory_space<vmem>>)
    %dma_start3A_149 = arith.constant 1 : i32
    %dma_start3A_150 = arith.constant 1 : i32
    %dma_start3A_151 = arith.constant 0 : i32
    %dma_start3A_152 = arith.constant 0 : i32
    %dma_start3A_153 = tpu.memref_slice %arg11[%dma_start3A_150, %dma_start3A_151, %dma_start3A_152] : memref<2x32x128xf32, #tpu.memory_space<vmem>> -> memref<1x32x128xf32, #tpu.memory_space<vmem>>
    %dma_start3A_154 = tpu.memref_squeeze %dma_start3A_153 : memref<1x32x128xf32, #tpu.memory_space<vmem>> -> memref<32x128xf32, #tpu.memory_space<vmem>>
    %dma_start3A_155 = arith.constant 0 : i32
    %dma_start3A_156 = tpu.memref_slice %arg9[%dma_start3A_149, %dma_start3A_155] : memref<2x32xi32, #tpu.memory_space<vmem>> -> memref<1x32xi32, #tpu.memory_space<vmem>>
    %dma_start3A_157 = tpu.memref_squeeze %dma_start3A_156 : memref<1x32xi32, #tpu.memory_space<vmem>> -> memref<32xi32, #tpu.memory_space<vmem>>
    %dma_start3A_158 = arith.constant 0 : i32
    %dma_start3A_159 = arith.constant 0 : i32
    %dma_start3A_160 = tpu.memref_slice %arg6[%dma_start3A_158, %dma_start3A_159] : memref<100000x128xf32, #tpu.memory_space<hbm>> -> memref<100000x128xf32, #tpu.memory_space<hbm>>
    tpu.enqueue_indirect_dma source(%dma_start3A_160 : memref<100000x128xf32, #tpu.memory_space<hbm>>) target(%dma_start3A_154 : memref<32x128xf32, #tpu.memory_space<vmem>>) offsets(%dma_start3A_157 : memref<32xi32, #tpu.memory_space<vmem>>) semaphore(%arg18 : memref<!tpu.dma_semaphore, #tpu.memory_space<semaphore_mem>>)
    %dma_wait3A_161 = arith.constant 0 : i32
    %dma_wait3A_162 = arith.constant 0 : i32
    %dma_wait3A_163 = arith.constant 0 : i32
    %dma_wait3A_164 = arith.constant 0 : i32
    %dma_wait3A_165 = tpu.memref_slice %arg10[%dma_wait3A_162, %dma_wait3A_163, %dma_wait3A_164] : memref<2x64x128xf32, #tpu.memory_space<vmem>> -> memref<1x64x128xf32, #tpu.memory_space<vmem>>
    %dma_wait3A_166 = tpu.memref_squeeze %dma_wait3A_165 : memref<1x64x128xf32, #tpu.memory_space<vmem>> -> memref<64x128xf32, #tpu.memory_space<vmem>>
    %dma_wait3A_167 = arith.constant 0 : i32
    %dma_wait3A_168 = tpu.memref_slice %arg8[%dma_wait3A_161, %dma_wait3A_167] : memref<2x64xi32, #tpu.memory_space<vmem>> -> memref<1x64xi32, #tpu.memory_space<vmem>>
    %dma_wait3A_169 = tpu.memref_squeeze %dma_wait3A_168 : memref<1x64xi32, #tpu.memory_space<vmem>> -> memref<64xi32, #tpu.memory_space<vmem>>
    %dma_wait3A_170 = arith.constant 0 : i32
    %dma_wait3A_171 = arith.constant 0 : i32
    %dma_wait3A_172 = tpu.memref_slice %arg5[%dma_wait3A_170, %dma_wait3A_171] : memref<100000x128xf32, #tpu.memory_space<hbm>> -> memref<100000x128xf32, #tpu.memory_space<hbm>>
    tpu.wait_indirect_dma semaphore(%arg15 : memref<!tpu.dma_semaphore, #tpu.memory_space<semaphore_mem>>) src(%dma_wait3A_172 : memref<100000x128xf32, #tpu.memory_space<hbm>>) dst(%dma_wait3A_166 : memref<64x128xf32, #tpu.memory_space<vmem>>)
    %dma_wait3A_173 = arith.constant 0 : i32
    %dma_wait3A_174 = arith.constant 0 : i32
    %dma_wait3A_175 = arith.constant 0 : i32
    %dma_wait3A_176 = arith.constant 0 : i32
    %dma_wait3A_177 = tpu.memref_slice %arg11[%dma_wait3A_174, %dma_wait3A_175, %dma_wait3A_176] : memref<2x32x128xf32, #tpu.memory_space<vmem>> -> memref<1x32x128xf32, #tpu.memory_space<vmem>>
    %dma_wait3A_178 = tpu.memref_squeeze %dma_wait3A_177 : memref<1x32x128xf32, #tpu.memory_space<vmem>> -> memref<32x128xf32, #tpu.memory_space<vmem>>
    %dma_wait3A_179 = arith.constant 0 : i32
    %dma_wait3A_180 = tpu.memref_slice %arg9[%dma_wait3A_173, %dma_wait3A_179] : memref<2x32xi32, #tpu.memory_space<vmem>> -> memref<1x32xi32, #tpu.memory_space<vmem>>
    %dma_wait3A_181 = tpu.memref_squeeze %dma_wait3A_180 : memref<1x32xi32, #tpu.memory_space<vmem>> -> memref<32xi32, #tpu.memory_space<vmem>>
    %dma_wait3A_182 = arith.constant 0 : i32
    %dma_wait3A_183 = arith.constant 0 : i32
    %dma_wait3A_184 = tpu.memref_slice %arg6[%dma_wait3A_182, %dma_wait3A_183] : memref<100000x128xf32, #tpu.memory_space<hbm>> -> memref<100000x128xf32, #tpu.memory_space<hbm>>
    tpu.wait_indirect_dma semaphore(%arg16 : memref<!tpu.dma_semaphore, #tpu.memory_space<semaphore_mem>>) src(%dma_wait3A_184 : memref<100000x128xf32, #tpu.memory_space<hbm>>) dst(%dma_wait3A_178 : memref<32x128xf32, #tpu.memory_space<vmem>>)
    %parallel_loop3A = arith.constant 0 : i32
    %parallel_loop3A_185 = arith.constant 32 : i32
    %parallel_loop3A_186 = arith.constant 1 : i32
    scf.for %parallel_loop3A_217 = %parallel_loop3A to %parallel_loop3A_185 step %parallel_loop3A_186  : i32 {
      %parallel_loop3A_218 = arith.constant 0.000000e+00 : f32
      %parallel_loop3A_219 = vector.broadcast %parallel_loop3A_218 : f32 to vector<16xf32>
      %parallel_loop3A_220 = arith.constant 0 : i32
      %parallel_loop3A_221 = arith.index_cast %parallel_loop3A_220 : i32 to index
      %parallel_loop3A_222 = arith.index_cast %parallel_loop3A_217 : i32 to index
      %parallel_loop3A_223 = arith.constant 0 : index
      %parallel_loop3A_224 = tpu.vector_load %arg10[%parallel_loop3A_221, %parallel_loop3A_222, %parallel_loop3A_223] {strides = array<i32>} : memref<2x64x128xf32, #tpu.memory_space<vmem>>, vector<16xf32>,
      %parallel_loop3A_225 = arith.constant 0 : i32
      %parallel_loop3A_226 = arith.index_cast %parallel_loop3A_225 : i32 to index
      %parallel_loop3A_227 = arith.index_cast %parallel_loop3A_217 : i32 to index
      %parallel_loop3A_228 = arith.constant 0 : index
      %parallel_loop3A_229 = tpu.vector_load %arg11[%parallel_loop3A_226, %parallel_loop3A_227, %parallel_loop3A_228] {strides = array<i32>} : memref<2x32x128xf32, #tpu.memory_space<vmem>>, vector<16xf32>,
      %parallel_loop3A_230 = arith.constant 32 : i32
      %parallel_loop3A_231 = arith.addi %parallel_loop3A_230, %parallel_loop3A_217 : i32
      %parallel_loop3A_232 = arith.constant 0 : i32
      %parallel_loop3A_233 = arith.index_cast %parallel_loop3A_232 : i32 to index
      %parallel_loop3A_234 = arith.index_cast %parallel_loop3A_231 : i32 to index
      %parallel_loop3A_235 = arith.constant 0 : index
      %parallel_loop3A_236 = tpu.vector_load %arg10[%parallel_loop3A_233, %parallel_loop3A_234, %parallel_loop3A_235] {strides = array<i32>} : memref<2x64x128xf32, #tpu.memory_space<vmem>>, vector<16xf32>,
      %parallel_loop3A_237 = arith.subf %parallel_loop3A_229, %parallel_loop3A_236 : vector<16xf32>
      %parallel_loop3A_238 = arith.addf %parallel_loop3A_224, %parallel_loop3A_237 : vector<16xf32>
      %parallel_loop3A_239 = math.absf %parallel_loop3A_238 : vector<16xf32>
      %parallel_loop3A_240 = arith.addf %parallel_loop3A_219, %parallel_loop3A_239 : vector<16xf32>
      %parallel_loop3A_241 = arith.constant 0 : i32
      %parallel_loop3A_242 = arith.index_cast %parallel_loop3A_241 : i32 to index
      %parallel_loop3A_243 = arith.index_cast %parallel_loop3A_217 : i32 to index
      %parallel_loop3A_244 = arith.constant 16 : index
      %parallel_loop3A_245 = tpu.vector_load %arg10[%parallel_loop3A_242, %parallel_loop3A_243, %parallel_loop3A_244] {strides = array<i32>} : memref<2x64x128xf32, #tpu.memory_space<vmem>>, vector<16xf32>,
      %parallel_loop3A_246 = arith.constant 0 : i32
      %parallel_loop3A_247 = arith.index_cast %parallel_loop3A_246 : i32 to index
      %parallel_loop3A_248 = arith.index_cast %parallel_loop3A_217 : i32 to index
      %parallel_loop3A_249 = arith.constant 16 : index
      %parallel_loop3A_250 = tpu.vector_load %arg11[%parallel_loop3A_247, %parallel_loop3A_248, %parallel_loop3A_249] {strides = array<i32>} : memref<2x32x128xf32, #tpu.memory_space<vmem>>, vector<16xf32>,
      %parallel_loop3A_251 = arith.constant 32 : i32
      %parallel_loop3A_252 = arith.addi %parallel_loop3A_251, %parallel_loop3A_217 : i32
      %parallel_loop3A_253 = arith.constant 0 : i32
      %parallel_loop3A_254 = arith.index_cast %parallel_loop3A_253 : i32 to index
      %parallel_loop3A_255 = arith.index_cast %parallel_loop3A_252 : i32 to index
      %parallel_loop3A_256 = arith.constant 16 : index
      %parallel_loop3A_257 = tpu.vector_load %arg10[%parallel_loop3A_254, %parallel_loop3A_255, %parallel_loop3A_256] {strides = array<i32>} : memref<2x64x128xf32, #tpu.memory_space<vmem>>, vector<16xf32>,
      %parallel_loop3A_258 = arith.subf %parallel_loop3A_250, %parallel_loop3A_257 : vector<16xf32>
      %parallel_loop3A_259 = arith.addf %parallel_loop3A_245, %parallel_loop3A_258 : vector<16xf32>
      %parallel_loop3A_260 = math.absf %parallel_loop3A_259 : vector<16xf32>
      %parallel_loop3A_261 = arith.addf %parallel_loop3A_240, %parallel_loop3A_260 : vector<16xf32>
      %parallel_loop3A_262 = arith.constant 0 : i32
      %parallel_loop3A_263 = arith.index_cast %parallel_loop3A_262 : i32 to index
      %parallel_loop3A_264 = arith.index_cast %parallel_loop3A_217 : i32 to index
      %parallel_loop3A_265 = arith.constant 32 : index
      %parallel_loop3A_266 = tpu.vector_load %arg10[%parallel_loop3A_263, %parallel_loop3A_264, %parallel_loop3A_265] {strides = array<i32>} : memref<2x64x128xf32, #tpu.memory_space<vmem>>, vector<16xf32>,
      %parallel_loop3A_267 = arith.constant 0 : i32
      %parallel_loop3A_268 = arith.index_cast %parallel_loop3A_267 : i32 to index
      %parallel_loop3A_269 = arith.index_cast %parallel_loop3A_217 : i32 to index
      %parallel_loop3A_270 = arith.constant 32 : index
      %parallel_loop3A_271 = tpu.vector_load %arg11[%parallel_loop3A_268, %parallel_loop3A_269, %parallel_loop3A_270] {strides = array<i32>} : memref<2x32x128xf32, #tpu.memory_space<vmem>>, vector<16xf32>,
      %parallel_loop3A_272 = arith.constant 32 : i32
      %parallel_loop3A_273 = arith.addi %parallel_loop3A_272, %parallel_loop3A_217 : i32
      %parallel_loop3A_274 = arith.constant 0 : i32
      %parallel_loop3A_275 = arith.index_cast %parallel_loop3A_274 : i32 to index
      %parallel_loop3A_276 = arith.index_cast %parallel_loop3A_273 : i32 to index
      %parallel_loop3A_277 = arith.constant 32 : index
      %parallel_loop3A_278 = tpu.vector_load %arg10[%parallel_loop3A_275, %parallel_loop3A_276, %parallel_loop3A_277] {strides = array<i32>} : memref<2x64x128xf32, #tpu.memory_space<vmem>>, vector<16xf32>,
      %parallel_loop3A_279 = arith.subf %parallel_loop3A_271, %parallel_loop3A_278 : vector<16xf32>
      %parallel_loop3A_280 = arith.addf %parallel_loop3A_266, %parallel_loop3A_279 : vector<16xf32>
      %parallel_loop3A_281 = math.absf %parallel_loop3A_280 : vector<16xf32>
      %parallel_loop3A_282 = arith.addf %parallel_loop3A_261, %parallel_loop3A_281 : vector<16xf32>
      %parallel_loop3A_283 = arith.constant 0 : i32
      %parallel_loop3A_284 = arith.index_cast %parallel_loop3A_283 : i32 to index
      %parallel_loop3A_285 = arith.index_cast %parallel_loop3A_217 : i32 to index
      %parallel_loop3A_286 = arith.constant 48 : index
      %parallel_loop3A_287 = tpu.vector_load %arg10[%parallel_loop3A_284, %parallel_loop3A_285, %parallel_loop3A_286] {strides = array<i32>} : memref<2x64x128xf32, #tpu.memory_space<vmem>>, vector<16xf32>,
      %parallel_loop3A_288 = arith.constant 0 : i32
      %parallel_loop3A_289 = arith.index_cast %parallel_loop3A_288 : i32 to index
      %parallel_loop3A_290 = arith.index_cast %parallel_loop3A_217 : i32 to index
      %parallel_loop3A_291 = arith.constant 48 : index
      %parallel_loop3A_292 = tpu.vector_load %arg11[%parallel_loop3A_289, %parallel_loop3A_290, %parallel_loop3A_291] {strides = array<i32>} : memref<2x32x128xf32, #tpu.memory_space<vmem>>, vector<16xf32>,
      %parallel_loop3A_293 = arith.constant 32 : i32
      %parallel_loop3A_294 = arith.addi %parallel_loop3A_293, %parallel_loop3A_217 : i32
      %parallel_loop3A_295 = arith.constant 0 : i32
      %parallel_loop3A_296 = arith.index_cast %parallel_loop3A_295 : i32 to index
      %parallel_loop3A_297 = arith.index_cast %parallel_loop3A_294 : i32 to index
      %parallel_loop3A_298 = arith.constant 48 : index
      %parallel_loop3A_299 = tpu.vector_load %arg10[%parallel_loop3A_296, %parallel_loop3A_297, %parallel_loop3A_298] {strides = array<i32>} : memref<2x64x128xf32, #tpu.memory_space<vmem>>, vector<16xf32>,
      %parallel_loop3A_300 = arith.subf %parallel_loop3A_292, %parallel_loop3A_299 : vector<16xf32>
      %parallel_loop3A_301 = arith.addf %parallel_loop3A_287, %parallel_loop3A_300 : vector<16xf32>
      %parallel_loop3A_302 = math.absf %parallel_loop3A_301 : vector<16xf32>
      %parallel_loop3A_303 = arith.addf %parallel_loop3A_282, %parallel_loop3A_302 : vector<16xf32>
      %parallel_loop3A_304 = arith.constant 0 : i32
      %parallel_loop3A_305 = arith.index_cast %parallel_loop3A_304 : i32 to index
      %parallel_loop3A_306 = arith.index_cast %parallel_loop3A_217 : i32 to index
      %parallel_loop3A_307 = arith.constant 64 : index
      %parallel_loop3A_308 = tpu.vector_load %arg10[%parallel_loop3A_305, %parallel_loop3A_306, %parallel_loop3A_307] {strides = array<i32>} : memref<2x64x128xf32, #tpu.memory_space<vmem>>, vector<16xf32>,
      %parallel_loop3A_309 = arith.constant 0 : i32
      %parallel_loop3A_310 = arith.index_cast %parallel_loop3A_309 : i32 to index
      %parallel_loop3A_311 = arith.index_cast %parallel_loop3A_217 : i32 to index
      %parallel_loop3A_312 = arith.constant 64 : index
      %parallel_loop3A_313 = tpu.vector_load %arg11[%parallel_loop3A_310, %parallel_loop3A_311, %parallel_loop3A_312] {strides = array<i32>} : memref<2x32x128xf32, #tpu.memory_space<vmem>>, vector<16xf32>,
      %parallel_loop3A_314 = arith.constant 32 : i32
      %parallel_loop3A_315 = arith.addi %parallel_loop3A_314, %parallel_loop3A_217 : i32
      %parallel_loop3A_316 = arith.constant 0 : i32
      %parallel_loop3A_317 = arith.index_cast %parallel_loop3A_316 : i32 to index
      %parallel_loop3A_318 = arith.index_cast %parallel_loop3A_315 : i32 to index
      %parallel_loop3A_319 = arith.constant 64 : index
      %parallel_loop3A_320 = tpu.vector_load %arg10[%parallel_loop3A_317, %parallel_loop3A_318, %parallel_loop3A_319] {strides = array<i32>} : memref<2x64x128xf32, #tpu.memory_space<vmem>>, vector<16xf32>,
      %parallel_loop3A_321 = arith.subf %parallel_loop3A_313, %parallel_loop3A_320 : vector<16xf32>
      %parallel_loop3A_322 = arith.addf %parallel_loop3A_308, %parallel_loop3A_321 : vector<16xf32>
      %parallel_loop3A_323 = math.absf %parallel_loop3A_322 : vector<16xf32>
      %parallel_loop3A_324 = arith.addf %parallel_loop3A_303, %parallel_loop3A_323 : vector<16xf32>
      %parallel_loop3A_325 = arith.constant 0 : i32
      %parallel_loop3A_326 = arith.index_cast %parallel_loop3A_325 : i32 to index
      %parallel_loop3A_327 = arith.index_cast %parallel_loop3A_217 : i32 to index
      %parallel_loop3A_328 = arith.constant 80 : index
      %parallel_loop3A_329 = tpu.vector_load %arg10[%parallel_loop3A_326, %parallel_loop3A_327, %parallel_loop3A_328] {strides = array<i32>} : memref<2x64x128xf32, #tpu.memory_space<vmem>>, vector<16xf32>,
      %parallel_loop3A_330 = arith.constant 0 : i32
      %parallel_loop3A_331 = arith.index_cast %parallel_loop3A_330 : i32 to index
      %parallel_loop3A_332 = arith.index_cast %parallel_loop3A_217 : i32 to index
      %parallel_loop3A_333 = arith.constant 80 : index
      %parallel_loop3A_334 = tpu.vector_load %arg11[%parallel_loop3A_331, %parallel_loop3A_332, %parallel_loop3A_333] {strides = array<i32>} : memref<2x32x128xf32, #tpu.memory_space<vmem>>, vector<16xf32>,
      %parallel_loop3A_335 = arith.constant 32 : i32
      %parallel_loop3A_336 = arith.addi %parallel_loop3A_335, %parallel_loop3A_217 : i32
      %parallel_loop3A_337 = arith.constant 0 : i32
      %parallel_loop3A_338 = arith.index_cast %parallel_loop3A_337 : i32 to index
      %parallel_loop3A_339 = arith.index_cast %parallel_loop3A_336 : i32 to index
      %parallel_loop3A_340 = arith.constant 80 : index
      %parallel_loop3A_341 = tpu.vector_load %arg10[%parallel_loop3A_338, %parallel_loop3A_339, %parallel_loop3A_340] {strides = array<i32>} : memref<2x64x128xf32, #tpu.memory_space<vmem>>, vector<16xf32>,
      %parallel_loop3A_342 = arith.subf %parallel_loop3A_334, %parallel_loop3A_341 : vector<16xf32>
      %parallel_loop3A_343 = arith.addf %parallel_loop3A_329, %parallel_loop3A_342 : vector<16xf32>
      %parallel_loop3A_344 = math.absf %parallel_loop3A_343 : vector<16xf32>
      %parallel_loop3A_345 = arith.addf %parallel_loop3A_324, %parallel_loop3A_344 : vector<16xf32>
      %parallel_loop3A_346 = arith.constant 0 : i32
      %parallel_loop3A_347 = arith.index_cast %parallel_loop3A_346 : i32 to index
      %parallel_loop3A_348 = arith.index_cast %parallel_loop3A_217 : i32 to index
      %parallel_loop3A_349 = arith.constant 96 : index
      %parallel_loop3A_350 = tpu.vector_load %arg10[%parallel_loop3A_347, %parallel_loop3A_348, %parallel_loop3A_349] {strides = array<i32>} : memref<2x64x128xf32, #tpu.memory_space<vmem>>, vector<16xf32>,
      %parallel_loop3A_351 = arith.constant 0 : i32
      %parallel_loop3A_352 = arith.index_cast %parallel_loop3A_351 : i32 to index
      %parallel_loop3A_353 = arith.index_cast %parallel_loop3A_217 : i32 to index
      %parallel_loop3A_354 = arith.constant 96 : index
      %parallel_loop3A_355 = tpu.vector_load %arg11[%parallel_loop3A_352, %parallel_loop3A_353, %parallel_loop3A_354] {strides = array<i32>} : memref<2x32x128xf32, #tpu.memory_space<vmem>>, vector<16xf32>,
      %parallel_loop3A_356 = arith.constant 32 : i32
      %parallel_loop3A_357 = arith.addi %parallel_loop3A_356, %parallel_loop3A_217 : i32
      %parallel_loop3A_358 = arith.constant 0 : i32
      %parallel_loop3A_359 = arith.index_cast %parallel_loop3A_358 : i32 to index
      %parallel_loop3A_360 = arith.index_cast %parallel_loop3A_357 : i32 to index
      %parallel_loop3A_361 = arith.constant 96 : index
      %parallel_loop3A_362 = tpu.vector_load %arg10[%parallel_loop3A_359, %parallel_loop3A_360, %parallel_loop3A_361] {strides = array<i32>} : memref<2x64x128xf32, #tpu.memory_space<vmem>>, vector<16xf32>,
      %parallel_loop3A_363 = arith.subf %parallel_loop3A_355, %parallel_loop3A_362 : vector<16xf32>
      %parallel_loop3A_364 = arith.addf %parallel_loop3A_350, %parallel_loop3A_363 : vector<16xf32>
      %parallel_loop3A_365 = math.absf %parallel_loop3A_364 : vector<16xf32>
      %parallel_loop3A_366 = arith.addf %parallel_loop3A_345, %parallel_loop3A_365 : vector<16xf32>
      %parallel_loop3A_367 = arith.constant 0 : i32
      %parallel_loop3A_368 = arith.index_cast %parallel_loop3A_367 : i32 to index
      %parallel_loop3A_369 = arith.index_cast %parallel_loop3A_217 : i32 to index
      %parallel_loop3A_370 = arith.constant 112 : index
      %parallel_loop3A_371 = tpu.vector_load %arg10[%parallel_loop3A_368, %parallel_loop3A_369, %parallel_loop3A_370] {strides = array<i32>} : memref<2x64x128xf32, #tpu.memory_space<vmem>>, vector<16xf32>,
      %parallel_loop3A_372 = arith.constant 0 : i32
      %parallel_loop3A_373 = arith.index_cast %parallel_loop3A_372 : i32 to index
      %parallel_loop3A_374 = arith.index_cast %parallel_loop3A_217 : i32 to index
      %parallel_loop3A_375 = arith.constant 112 : index
      %parallel_loop3A_376 = tpu.vector_load %arg11[%parallel_loop3A_373, %parallel_loop3A_374, %parallel_loop3A_375] {strides = array<i32>} : memref<2x32x128xf32, #tpu.memory_space<vmem>>, vector<16xf32>,
      %parallel_loop3A_377 = arith.constant 32 : i32
      %parallel_loop3A_378 = arith.addi %parallel_loop3A_377, %parallel_loop3A_217 : i32
      %parallel_loop3A_379 = arith.constant 0 : i32
      %parallel_loop3A_380 = arith.index_cast %parallel_loop3A_379 : i32 to index
      %parallel_loop3A_381 = arith.index_cast %parallel_loop3A_378 : i32 to index
      %parallel_loop3A_382 = arith.constant 112 : index
      %parallel_loop3A_383 = tpu.vector_load %arg10[%parallel_loop3A_380, %parallel_loop3A_381, %parallel_loop3A_382] {strides = array<i32>} : memref<2x64x128xf32, #tpu.memory_space<vmem>>, vector<16xf32>,
      %parallel_loop3A_384 = arith.subf %parallel_loop3A_376, %parallel_loop3A_383 : vector<16xf32>
      %parallel_loop3A_385 = arith.addf %parallel_loop3A_371, %parallel_loop3A_384 : vector<16xf32>
      %parallel_loop3A_386 = math.absf %parallel_loop3A_385 : vector<16xf32>
      %parallel_loop3A_387 = arith.addf %parallel_loop3A_366, %parallel_loop3A_386 : vector<16xf32>
      %parallel_loop3A_388 = arith.constant 0 : i32
      %parallel_loop3A_389 = arith.addi %parallel_loop3A_388, %parallel_loop3A_217 : i32
      %parallel_loop3A_390 = arith.index_cast %parallel_loop3A_389 : i32 to index
      %parallel_loop3A_391 = arith.constant 0 : index
      %parallel_loop3A_392 = tpu.vector_load %arg12[%parallel_loop3A_390, %parallel_loop3A_391] {strides = array<i32>} : memref<64x16xf32, #tpu.memory_space<vmem>>, vector<16xf32>,
      tpu.vector_store %arg12[%parallel_loop3A_390, %parallel_loop3A_391], %parallel_loop3A_387 {strides = array<i32>} : memref<64x16xf32, #tpu.memory_space<vmem>>, vector<16xf32>,
    } {sc.loop_unroll_factor = 1 : i64, sc.parallel_access}
    %dma_wait3A_187 = arith.constant 1 : i32
    %dma_wait3A_188 = arith.constant 1 : i32
    %dma_wait3A_189 = arith.constant 0 : i32
    %dma_wait3A_190 = arith.constant 0 : i32
    %dma_wait3A_191 = tpu.memref_slice %arg10[%dma_wait3A_188, %dma_wait3A_189, %dma_wait3A_190] : memref<2x64x128xf32, #tpu.memory_space<vmem>> -> memref<1x64x128xf32, #tpu.memory_space<vmem>>
    %dma_wait3A_192 = tpu.memref_squeeze %dma_wait3A_191 : memref<1x64x128xf32, #tpu.memory_space<vmem>> -> memref<64x128xf32, #tpu.memory_space<vmem>>
    %dma_wait3A_193 = arith.constant 0 : i32
    %dma_wait3A_194 = tpu.memref_slice %arg8[%dma_wait3A_187, %dma_wait3A_193] : memref<2x64xi32, #tpu.memory_space<vmem>> -> memref<1x64xi32, #tpu.memory_space<vmem>>
    %dma_wait3A_195 = tpu.memref_squeeze %dma_wait3A_194 : memref<1x64xi32, #tpu.memory_space<vmem>> -> memref<64xi32, #tpu.memory_space<vmem>>
    %dma_wait3A_196 = arith.constant 0 : i32
    %dma_wait3A_197 = arith.constant 0 : i32
    %dma_wait3A_198 = tpu.memref_slice %arg5[%dma_wait3A_196, %dma_wait3A_197] : memref<100000x128xf32, #tpu.memory_space<hbm>> -> memref<100000x128xf32, #tpu.memory_space<hbm>>
    tpu.wait_indirect_dma semaphore(%arg17 : memref<!tpu.dma_semaphore, #tpu.memory_space<semaphore_mem>>) src(%dma_wait3A_198 : memref<100000x128xf32, #tpu.memory_space<hbm>>) dst(%dma_wait3A_192 : memref<64x128xf32, #tpu.memory_space<vmem>>)
    %dma_wait3A_199 = arith.constant 1 : i32
    %dma_wait3A_200 = arith.constant 1 : i32
    %dma_wait3A_201 = arith.constant 0 : i32
    %dma_wait3A_202 = arith.constant 0 : i32
    %dma_wait3A_203 = tpu.memref_slice %arg11[%dma_wait3A_200, %dma_wait3A_201, %dma_wait3A_202] : memref<2x32x128xf32, #tpu.memory_space<vmem>> -> memref<1x32x128xf32, #tpu.memory_space<vmem>>
    %dma_wait3A_204 = tpu.memref_squeeze %dma_wait3A_203 : memref<1x32x128xf32, #tpu.memory_space<vmem>> -> memref<32x128xf32, #tpu.memory_space<vmem>>
    %dma_wait3A_205 = arith.constant 0 : i32
    %dma_wait3A_206 = tpu.memref_slice %arg9[%dma_wait3A_199, %dma_wait3A_205] : memref<2x32xi32, #tpu.memory_space<vmem>> -> memref<1x32xi32, #tpu.memory_space<vmem>>
    %dma_wait3A_207 = tpu.memref_squeeze %dma_wait3A_206 : memref<1x32xi32, #tpu.memory_space<vmem>> -> memref<32xi32, #tpu.memory_space<vmem>>
    %dma_wait3A_208 = arith.constant 0 : i32
    %dma_wait3A_209 = arith.constant 0 : i32
    %dma_wait3A_210 = tpu.memref_slice %arg6[%dma_wait3A_208, %dma_wait3A_209] : memref<100000x128xf32, #tpu.memory_space<hbm>> -> memref<100000x128xf32, #tpu.memory_space<hbm>>
    tpu.wait_indirect_dma semaphore(%arg18 : memref<!tpu.dma_semaphore, #tpu.memory_space<semaphore_mem>>) src(%dma_wait3A_210 : memref<100000x128xf32, #tpu.memory_space<hbm>>) dst(%dma_wait3A_204 : memref<32x128xf32, #tpu.memory_space<vmem>>)
    %parallel_loop3A_211 = arith.constant 0 : i32
    %parallel_loop3A_212 = arith.constant 32 : i32
    %parallel_loop3A_213 = arith.constant 1 : i32
    scf.for %parallel_loop3A_217 = %parallel_loop3A_211 to %parallel_loop3A_212 step %parallel_loop3A_213  : i32 {
      %parallel_loop3A_218 = arith.constant 0.000000e+00 : f32
      %parallel_loop3A_219 = vector.broadcast %parallel_loop3A_218 : f32 to vector<16xf32>
      %parallel_loop3A_220 = arith.constant 1 : i32
      %parallel_loop3A_221 = arith.index_cast %parallel_loop3A_220 : i32 to index
      %parallel_loop3A_222 = arith.index_cast %parallel_loop3A_217 : i32 to index
      %parallel_loop3A_223 = arith.constant 0 : index
      %parallel_loop3A_224 = tpu.vector_load %arg10[%parallel_loop3A_221, %parallel_loop3A_222, %parallel_loop3A_223] {strides = array<i32>} : memref<2x64x128xf32, #tpu.memory_space<vmem>>, vector<16xf32>,
      %parallel_loop3A_225 = arith.constant 1 : i32
      %parallel_loop3A_226 = arith.index_cast %parallel_loop3A_225 : i32 to index
      %parallel_loop3A_227 = arith.index_cast %parallel_loop3A_217 : i32 to index
      %parallel_loop3A_228 = arith.constant 0 : index
      %parallel_loop3A_229 = tpu.vector_load %arg11[%parallel_loop3A_226, %parallel_loop3A_227, %parallel_loop3A_228] {strides = array<i32>} : memref<2x32x128xf32, #tpu.memory_space<vmem>>, vector<16xf32>,
      %parallel_loop3A_230 = arith.constant 32 : i32
      %parallel_loop3A_231 = arith.addi %parallel_loop3A_230, %parallel_loop3A_217 : i32
      %parallel_loop3A_232 = arith.constant 1 : i32
      %parallel_loop3A_233 = arith.index_cast %parallel_loop3A_232 : i32 to index
      %parallel_loop3A_234 = arith.index_cast %parallel_loop3A_231 : i32 to index
      %parallel_loop3A_235 = arith.constant 0 : index
      %parallel_loop3A_236 = tpu.vector_load %arg10[%parallel_loop3A_233, %parallel_loop3A_234, %parallel_loop3A_235] {strides = array<i32>} : memref<2x64x128xf32, #tpu.memory_space<vmem>>, vector<16xf32>,
      %parallel_loop3A_237 = arith.subf %parallel_loop3A_229, %parallel_loop3A_236 : vector<16xf32>
      %parallel_loop3A_238 = arith.addf %parallel_loop3A_224, %parallel_loop3A_237 : vector<16xf32>
      %parallel_loop3A_239 = math.absf %parallel_loop3A_238 : vector<16xf32>
      %parallel_loop3A_240 = arith.addf %parallel_loop3A_219, %parallel_loop3A_239 : vector<16xf32>
      %parallel_loop3A_241 = arith.constant 1 : i32
      %parallel_loop3A_242 = arith.index_cast %parallel_loop3A_241 : i32 to index
      %parallel_loop3A_243 = arith.index_cast %parallel_loop3A_217 : i32 to index
      %parallel_loop3A_244 = arith.constant 16 : index
      %parallel_loop3A_245 = tpu.vector_load %arg10[%parallel_loop3A_242, %parallel_loop3A_243, %parallel_loop3A_244] {strides = array<i32>} : memref<2x64x128xf32, #tpu.memory_space<vmem>>, vector<16xf32>,
      %parallel_loop3A_246 = arith.constant 1 : i32
      %parallel_loop3A_247 = arith.index_cast %parallel_loop3A_246 : i32 to index
      %parallel_loop3A_248 = arith.index_cast %parallel_loop3A_217 : i32 to index
      %parallel_loop3A_249 = arith.constant 16 : index
      %parallel_loop3A_250 = tpu.vector_load %arg11[%parallel_loop3A_247, %parallel_loop3A_248, %parallel_loop3A_249] {strides = array<i32>} : memref<2x32x128xf32, #tpu.memory_space<vmem>>, vector<16xf32>,
      %parallel_loop3A_251 = arith.constant 32 : i32
      %parallel_loop3A_252 = arith.addi %parallel_loop3A_251, %parallel_loop3A_217 : i32
      %parallel_loop3A_253 = arith.constant 1 : i32
      %parallel_loop3A_254 = arith.index_cast %parallel_loop3A_253 : i32 to index
      %parallel_loop3A_255 = arith.index_cast %parallel_loop3A_252 : i32 to index
      %parallel_loop3A_256 = arith.constant 16 : index
      %parallel_loop3A_257 = tpu.vector_load %arg10[%parallel_loop3A_254, %parallel_loop3A_255, %parallel_loop3A_256] {strides = array<i32>} : memref<2x64x128xf32, #tpu.memory_space<vmem>>, vector<16xf32>,
      %parallel_loop3A_258 = arith.subf %parallel_loop3A_250, %parallel_loop3A_257 : vector<16xf32>
      %parallel_loop3A_259 = arith.addf %parallel_loop3A_245, %parallel_loop3A_258 : vector<16xf32>
      %parallel_loop3A_260 = math.absf %parallel_loop3A_259 : vector<16xf32>
      %parallel_loop3A_261 = arith.addf %parallel_loop3A_240, %parallel_loop3A_260 : vector<16xf32>
      %parallel_loop3A_262 = arith.constant 1 : i32
      %parallel_loop3A_263 = arith.index_cast %parallel_loop3A_262 : i32 to index
      %parallel_loop3A_264 = arith.index_cast %parallel_loop3A_217 : i32 to index
      %parallel_loop3A_265 = arith.constant 32 : index
      %parallel_loop3A_266 = tpu.vector_load %arg10[%parallel_loop3A_263, %parallel_loop3A_264, %parallel_loop3A_265] {strides = array<i32>} : memref<2x64x128xf32, #tpu.memory_space<vmem>>, vector<16xf32>,
      %parallel_loop3A_267 = arith.constant 1 : i32
      %parallel_loop3A_268 = arith.index_cast %parallel_loop3A_267 : i32 to index
      %parallel_loop3A_269 = arith.index_cast %parallel_loop3A_217 : i32 to index
      %parallel_loop3A_270 = arith.constant 32 : index
      %parallel_loop3A_271 = tpu.vector_load %arg11[%parallel_loop3A_268, %parallel_loop3A_269, %parallel_loop3A_270] {strides = array<i32>} : memref<2x32x128xf32, #tpu.memory_space<vmem>>, vector<16xf32>,
      %parallel_loop3A_272 = arith.constant 32 : i32
      %parallel_loop3A_273 = arith.addi %parallel_loop3A_272, %parallel_loop3A_217 : i32
      %parallel_loop3A_274 = arith.constant 1 : i32
      %parallel_loop3A_275 = arith.index_cast %parallel_loop3A_274 : i32 to index
      %parallel_loop3A_276 = arith.index_cast %parallel_loop3A_273 : i32 to index
      %parallel_loop3A_277 = arith.constant 32 : index
      %parallel_loop3A_278 = tpu.vector_load %arg10[%parallel_loop3A_275, %parallel_loop3A_276, %parallel_loop3A_277] {strides = array<i32>} : memref<2x64x128xf32, #tpu.memory_space<vmem>>, vector<16xf32>,
      %parallel_loop3A_279 = arith.subf %parallel_loop3A_271, %parallel_loop3A_278 : vector<16xf32>
      %parallel_loop3A_280 = arith.addf %parallel_loop3A_266, %parallel_loop3A_279 : vector<16xf32>
      %parallel_loop3A_281 = math.absf %parallel_loop3A_280 : vector<16xf32>
      %parallel_loop3A_282 = arith.addf %parallel_loop3A_261, %parallel_loop3A_281 : vector<16xf32>
      %parallel_loop3A_283 = arith.constant 1 : i32
      %parallel_loop3A_284 = arith.index_cast %parallel_loop3A_283 : i32 to index
      %parallel_loop3A_285 = arith.index_cast %parallel_loop3A_217 : i32 to index
      %parallel_loop3A_286 = arith.constant 48 : index
      %parallel_loop3A_287 = tpu.vector_load %arg10[%parallel_loop3A_284, %parallel_loop3A_285, %parallel_loop3A_286] {strides = array<i32>} : memref<2x64x128xf32, #tpu.memory_space<vmem>>, vector<16xf32>,
      %parallel_loop3A_288 = arith.constant 1 : i32
      %parallel_loop3A_289 = arith.index_cast %parallel_loop3A_288 : i32 to index
      %parallel_loop3A_290 = arith.index_cast %parallel_loop3A_217 : i32 to index
      %parallel_loop3A_291 = arith.constant 48 : index
      %parallel_loop3A_292 = tpu.vector_load %arg11[%parallel_loop3A_289, %parallel_loop3A_290, %parallel_loop3A_291] {strides = array<i32>} : memref<2x32x128xf32, #tpu.memory_space<vmem>>, vector<16xf32>,
      %parallel_loop3A_293 = arith.constant 32 : i32
      %parallel_loop3A_294 = arith.addi %parallel_loop3A_293, %parallel_loop3A_217 : i32
      %parallel_loop3A_295 = arith.constant 1 : i32
      %parallel_loop3A_296 = arith.index_cast %parallel_loop3A_295 : i32 to index
      %parallel_loop3A_297 = arith.index_cast %parallel_loop3A_294 : i32 to index
      %parallel_loop3A_298 = arith.constant 48 : index
      %parallel_loop3A_299 = tpu.vector_load %arg10[%parallel_loop3A_296, %parallel_loop3A_297, %parallel_loop3A_298] {strides = array<i32>} : memref<2x64x128xf32, #tpu.memory_space<vmem>>, vector<16xf32>,
      %parallel_loop3A_300 = arith.subf %parallel_loop3A_292, %parallel_loop3A_299 : vector<16xf32>
      %parallel_loop3A_301 = arith.addf %parallel_loop3A_287, %parallel_loop3A_300 : vector<16xf32>
      %parallel_loop3A_302 = math.absf %parallel_loop3A_301 : vector<16xf32>
      %parallel_loop3A_303 = arith.addf %parallel_loop3A_282, %parallel_loop3A_302 : vector<16xf32>
      %parallel_loop3A_304 = arith.constant 1 : i32
      %parallel_loop3A_305 = arith.index_cast %parallel_loop3A_304 : i32 to index
      %parallel_loop3A_306 = arith.index_cast %parallel_loop3A_217 : i32 to index
      %parallel_loop3A_307 = arith.constant 64 : index
      %parallel_loop3A_308 = tpu.vector_load %arg10[%parallel_loop3A_305, %parallel_loop3A_306, %parallel_loop3A_307] {strides = array<i32>} : memref<2x64x128xf32, #tpu.memory_space<vmem>>, vector<16xf32>,
      %parallel_loop3A_309 = arith.constant 1 : i32
      %parallel_loop3A_310 = arith.index_cast %parallel_loop3A_309 : i32 to index
      %parallel_loop3A_311 = arith.index_cast %parallel_loop3A_217 : i32 to index
      %parallel_loop3A_312 = arith.constant 64 : index
      %parallel_loop3A_313 = tpu.vector_load %arg11[%parallel_loop3A_310, %parallel_loop3A_311, %parallel_loop3A_312] {strides = array<i32>} : memref<2x32x128xf32, #tpu.memory_space<vmem>>, vector<16xf32>,
      %parallel_loop3A_314 = arith.constant 32 : i32
      %parallel_loop3A_315 = arith.addi %parallel_loop3A_314, %parallel_loop3A_217 : i32
      %parallel_loop3A_316 = arith.constant 1 : i32
      %parallel_loop3A_317 = arith.index_cast %parallel_loop3A_316 : i32 to index
      %parallel_loop3A_318 = arith.index_cast %parallel_loop3A_315 : i32 to index
      %parallel_loop3A_319 = arith.constant 64 : index
      %parallel_loop3A_320 = tpu.vector_load %arg10[%parallel_loop3A_317, %parallel_loop3A_318, %parallel_loop3A_319] {strides = array<i32>} : memref<2x64x128xf32, #tpu.memory_space<vmem>>, vector<16xf32>,
      %parallel_loop3A_321 = arith.subf %parallel_loop3A_313, %parallel_loop3A_320 : vector<16xf32>
      %parallel_loop3A_322 = arith.addf %parallel_loop3A_308, %parallel_loop3A_321 : vector<16xf32>
      %parallel_loop3A_323 = math.absf %parallel_loop3A_322 : vector<16xf32>
      %parallel_loop3A_324 = arith.addf %parallel_loop3A_303, %parallel_loop3A_323 : vector<16xf32>
      %parallel_loop3A_325 = arith.constant 1 : i32
      %parallel_loop3A_326 = arith.index_cast %parallel_loop3A_325 : i32 to index
      %parallel_loop3A_327 = arith.index_cast %parallel_loop3A_217 : i32 to index
      %parallel_loop3A_328 = arith.constant 80 : index
      %parallel_loop3A_329 = tpu.vector_load %arg10[%parallel_loop3A_326, %parallel_loop3A_327, %parallel_loop3A_328] {strides = array<i32>} : memref<2x64x128xf32, #tpu.memory_space<vmem>>, vector<16xf32>,
      %parallel_loop3A_330 = arith.constant 1 : i32
      %parallel_loop3A_331 = arith.index_cast %parallel_loop3A_330 : i32 to index
      %parallel_loop3A_332 = arith.index_cast %parallel_loop3A_217 : i32 to index
      %parallel_loop3A_333 = arith.constant 80 : index
      %parallel_loop3A_334 = tpu.vector_load %arg11[%parallel_loop3A_331, %parallel_loop3A_332, %parallel_loop3A_333] {strides = array<i32>} : memref<2x32x128xf32, #tpu.memory_space<vmem>>, vector<16xf32>,
      %parallel_loop3A_335 = arith.constant 32 : i32
      %parallel_loop3A_336 = arith.addi %parallel_loop3A_335, %parallel_loop3A_217 : i32
      %parallel_loop3A_337 = arith.constant 1 : i32
      %parallel_loop3A_338 = arith.index_cast %parallel_loop3A_337 : i32 to index
      %parallel_loop3A_339 = arith.index_cast %parallel_loop3A_336 : i32 to index
      %parallel_loop3A_340 = arith.constant 80 : index
      %parallel_loop3A_341 = tpu.vector_load %arg10[%parallel_loop3A_338, %parallel_loop3A_339, %parallel_loop3A_340] {strides = array<i32>} : memref<2x64x128xf32, #tpu.memory_space<vmem>>, vector<16xf32>,
      %parallel_loop3A_342 = arith.subf %parallel_loop3A_334, %parallel_loop3A_341 : vector<16xf32>
      %parallel_loop3A_343 = arith.addf %parallel_loop3A_329, %parallel_loop3A_342 : vector<16xf32>
      %parallel_loop3A_344 = math.absf %parallel_loop3A_343 : vector<16xf32>
      %parallel_loop3A_345 = arith.addf %parallel_loop3A_324, %parallel_loop3A_344 : vector<16xf32>
      %parallel_loop3A_346 = arith.constant 1 : i32
      %parallel_loop3A_347 = arith.index_cast %parallel_loop3A_346 : i32 to index
      %parallel_loop3A_348 = arith.index_cast %parallel_loop3A_217 : i32 to index
      %parallel_loop3A_349 = arith.constant 96 : index
      %parallel_loop3A_350 = tpu.vector_load %arg10[%parallel_loop3A_347, %parallel_loop3A_348, %parallel_loop3A_349] {strides = array<i32>} : memref<2x64x128xf32, #tpu.memory_space<vmem>>, vector<16xf32>,
      %parallel_loop3A_351 = arith.constant 1 : i32
      %parallel_loop3A_352 = arith.index_cast %parallel_loop3A_351 : i32 to index
      %parallel_loop3A_353 = arith.index_cast %parallel_loop3A_217 : i32 to index
      %parallel_loop3A_354 = arith.constant 96 : index
      %parallel_loop3A_355 = tpu.vector_load %arg11[%parallel_loop3A_352, %parallel_loop3A_353, %parallel_loop3A_354] {strides = array<i32>} : memref<2x32x128xf32, #tpu.memory_space<vmem>>, vector<16xf32>,
      %parallel_loop3A_356 = arith.constant 32 : i32
      %parallel_loop3A_357 = arith.addi %parallel_loop3A_356, %parallel_loop3A_217 : i32
      %parallel_loop3A_358 = arith.constant 1 : i32
      %parallel_loop3A_359 = arith.index_cast %parallel_loop3A_358 : i32 to index
      %parallel_loop3A_360 = arith.index_cast %parallel_loop3A_357 : i32 to index
      %parallel_loop3A_361 = arith.constant 96 : index
      %parallel_loop3A_362 = tpu.vector_load %arg10[%parallel_loop3A_359, %parallel_loop3A_360, %parallel_loop3A_361] {strides = array<i32>} : memref<2x64x128xf32, #tpu.memory_space<vmem>>, vector<16xf32>,
      %parallel_loop3A_363 = arith.subf %parallel_loop3A_355, %parallel_loop3A_362 : vector<16xf32>
      %parallel_loop3A_364 = arith.addf %parallel_loop3A_350, %parallel_loop3A_363 : vector<16xf32>
      %parallel_loop3A_365 = math.absf %parallel_loop3A_364 : vector<16xf32>
      %parallel_loop3A_366 = arith.addf %parallel_loop3A_345, %parallel_loop3A_365 : vector<16xf32>
      %parallel_loop3A_367 = arith.constant 1 : i32
      %parallel_loop3A_368 = arith.index_cast %parallel_loop3A_367 : i32 to index
      %parallel_loop3A_369 = arith.index_cast %parallel_loop3A_217 : i32 to index
      %parallel_loop3A_370 = arith.constant 112 : index
      %parallel_loop3A_371 = tpu.vector_load %arg10[%parallel_loop3A_368, %parallel_loop3A_369, %parallel_loop3A_370] {strides = array<i32>} : memref<2x64x128xf32, #tpu.memory_space<vmem>>, vector<16xf32>,
      %parallel_loop3A_372 = arith.constant 1 : i32
      %parallel_loop3A_373 = arith.index_cast %parallel_loop3A_372 : i32 to index
      %parallel_loop3A_374 = arith.index_cast %parallel_loop3A_217 : i32 to index
      %parallel_loop3A_375 = arith.constant 112 : index
      %parallel_loop3A_376 = tpu.vector_load %arg11[%parallel_loop3A_373, %parallel_loop3A_374, %parallel_loop3A_375] {strides = array<i32>} : memref<2x32x128xf32, #tpu.memory_space<vmem>>, vector<16xf32>,
      %parallel_loop3A_377 = arith.constant 32 : i32
      %parallel_loop3A_378 = arith.addi %parallel_loop3A_377, %parallel_loop3A_217 : i32
      %parallel_loop3A_379 = arith.constant 1 : i32
      %parallel_loop3A_380 = arith.index_cast %parallel_loop3A_379 : i32 to index
      %parallel_loop3A_381 = arith.index_cast %parallel_loop3A_378 : i32 to index
      %parallel_loop3A_382 = arith.constant 112 : index
      %parallel_loop3A_383 = tpu.vector_load %arg10[%parallel_loop3A_380, %parallel_loop3A_381, %parallel_loop3A_382] {strides = array<i32>} : memref<2x64x128xf32, #tpu.memory_space<vmem>>, vector<16xf32>,
      %parallel_loop3A_384 = arith.subf %parallel_loop3A_376, %parallel_loop3A_383 : vector<16xf32>
      %parallel_loop3A_385 = arith.addf %parallel_loop3A_371, %parallel_loop3A_384 : vector<16xf32>
      %parallel_loop3A_386 = math.absf %parallel_loop3A_385 : vector<16xf32>
      %parallel_loop3A_387 = arith.addf %parallel_loop3A_366, %parallel_loop3A_386 : vector<16xf32>
      %parallel_loop3A_388 = arith.constant 32 : i32
      %parallel_loop3A_389 = arith.addi %parallel_loop3A_388, %parallel_loop3A_217 : i32
      %parallel_loop3A_390 = arith.index_cast %parallel_loop3A_389 : i32 to index
      %parallel_loop3A_391 = arith.constant 0 : index
      %parallel_loop3A_392 = tpu.vector_load %arg12[%parallel_loop3A_390, %parallel_loop3A_391] {strides = array<i32>} : memref<64x16xf32, #tpu.memory_space<vmem>>, vector<16xf32>,
      tpu.vector_store %arg12[%parallel_loop3A_390, %parallel_loop3A_391], %parallel_loop3A_387 {strides = array<i32>} : memref<64x16xf32, #tpu.memory_space<vmem>>, vector<16xf32>,
    } {sc.loop_unroll_factor = 1 : i64, sc.parallel_access}
    %parallel_loop3A_214 = arith.constant 0 : i32
    %parallel_loop3A_215 = arith.constant 4 : i32
    %parallel_loop3A_216 = arith.constant 1 : i32
    scf.for %parallel_loop3A_217 = %parallel_loop3A_214 to %parallel_loop3A_215 step %parallel_loop3A_216  : i32 {
      %parallel_loop3A_218 = arith.constant 16 : i32
      %parallel_loop3A_219 = arith.muli %parallel_loop3A_217, %parallel_loop3A_218 : i32
      %parallel_loop3A_220 = vector.broadcast %parallel_loop3A_219 : i32 to vector<16xi32>
      %parallel_loop3A_221 = arith.addi %iota3A, %parallel_loop3A_220 : vector<16xi32>
      %parallel_loop3A_222 = arith.constant 0.000000e+00 : f32
      %parallel_loop3A_223 = vector.broadcast %parallel_loop3A_222 : f32 to vector<16xf32>
      %parallel_loop3A_224 = arith.constant 0 : i32
      %parallel_loop3A_225 = vector.broadcast %parallel_loop3A_224 : i32 to vector<16xi32>
      %parallel_loop3A_226 = tpu.vector_load_idx %arg12[%parallel_loop3A_221, %parallel_loop3A_225] : memref<64x16xf32, #tpu.memory_space<vmem>>[vector<16xi32>, vector<16xi32>], vector<16xf32>,
      %parallel_loop3A_227 = arith.addf %parallel_loop3A_223, %parallel_loop3A_226 : vector<16xf32>
      %parallel_loop3A_228 = arith.constant 1 : i32
      %parallel_loop3A_229 = vector.broadcast %parallel_loop3A_228 : i32 to vector<16xi32>
      %parallel_loop3A_230 = tpu.vector_load_idx %arg12[%parallel_loop3A_221, %parallel_loop3A_229] : memref<64x16xf32, #tpu.memory_space<vmem>>[vector<16xi32>, vector<16xi32>], vector<16xf32>,
      %parallel_loop3A_231 = arith.addf %parallel_loop3A_227, %parallel_loop3A_230 : vector<16xf32>
      %parallel_loop3A_232 = arith.constant 2 : i32
      %parallel_loop3A_233 = vector.broadcast %parallel_loop3A_232 : i32 to vector<16xi32>
      %parallel_loop3A_234 = tpu.vector_load_idx %arg12[%parallel_loop3A_221, %parallel_loop3A_233] : memref<64x16xf32, #tpu.memory_space<vmem>>[vector<16xi32>, vector<16xi32>], vector<16xf32>,
      %parallel_loop3A_235 = arith.addf %parallel_loop3A_231, %parallel_loop3A_234 : vector<16xf32>
      %parallel_loop3A_236 = arith.constant 3 : i32
      %parallel_loop3A_237 = vector.broadcast %parallel_loop3A_236 : i32 to vector<16xi32>
      %parallel_loop3A_238 = tpu.vector_load_idx %arg12[%parallel_loop3A_221, %parallel_loop3A_237] : memref<64x16xf32, #tpu.memory_space<vmem>>[vector<16xi32>, vector<16xi32>], vector<16xf32>,
      %parallel_loop3A_239 = arith.addf %parallel_loop3A_235, %parallel_loop3A_238 : vector<16xf32>
      %parallel_loop3A_240 = arith.constant 4 : i32
      %parallel_loop3A_241 = vector.broadcast %parallel_loop3A_240 : i32 to vector<16xi32>
      %parallel_loop3A_242 = tpu.vector_load_idx %arg12[%parallel_loop3A_221, %parallel_loop3A_241] : memref<64x16xf32, #tpu.memory_space<vmem>>[vector<16xi32>, vector<16xi32>], vector<16xf32>,
      %parallel_loop3A_243 = arith.addf %parallel_loop3A_239, %parallel_loop3A_242 : vector<16xf32>
      %parallel_loop3A_244 = arith.constant 5 : i32
      %parallel_loop3A_245 = vector.broadcast %parallel_loop3A_244 : i32 to vector<16xi32>
      %parallel_loop3A_246 = tpu.vector_load_idx %arg12[%parallel_loop3A_221, %parallel_loop3A_245] : memref<64x16xf32, #tpu.memory_space<vmem>>[vector<16xi32>, vector<16xi32>], vector<16xf32>,
      %parallel_loop3A_247 = arith.addf %parallel_loop3A_243, %parallel_loop3A_246 : vector<16xf32>
      %parallel_loop3A_248 = arith.constant 6 : i32
      %parallel_loop3A_249 = vector.broadcast %parallel_loop3A_248 : i32 to vector<16xi32>
      %parallel_loop3A_250 = tpu.vector_load_idx %arg12[%parallel_loop3A_221, %parallel_loop3A_249] : memref<64x16xf32, #tpu.memory_space<vmem>>[vector<16xi32>, vector<16xi32>], vector<16xf32>,
      %parallel_loop3A_251 = arith.addf %parallel_loop3A_247, %parallel_loop3A_250 : vector<16xf32>
      %parallel_loop3A_252 = arith.constant 7 : i32
      %parallel_loop3A_253 = vector.broadcast %parallel_loop3A_252 : i32 to vector<16xi32>
      %parallel_loop3A_254 = tpu.vector_load_idx %arg12[%parallel_loop3A_221, %parallel_loop3A_253] : memref<64x16xf32, #tpu.memory_space<vmem>>[vector<16xi32>, vector<16xi32>], vector<16xf32>,
      %parallel_loop3A_255 = arith.addf %parallel_loop3A_251, %parallel_loop3A_254 : vector<16xf32>
      %parallel_loop3A_256 = arith.constant 8 : i32
      %parallel_loop3A_257 = vector.broadcast %parallel_loop3A_256 : i32 to vector<16xi32>
      %parallel_loop3A_258 = tpu.vector_load_idx %arg12[%parallel_loop3A_221, %parallel_loop3A_257] : memref<64x16xf32, #tpu.memory_space<vmem>>[vector<16xi32>, vector<16xi32>], vector<16xf32>,
      %parallel_loop3A_259 = arith.addf %parallel_loop3A_255, %parallel_loop3A_258 : vector<16xf32>
      %parallel_loop3A_260 = arith.constant 9 : i32
      %parallel_loop3A_261 = vector.broadcast %parallel_loop3A_260 : i32 to vector<16xi32>
      %parallel_loop3A_262 = tpu.vector_load_idx %arg12[%parallel_loop3A_221, %parallel_loop3A_261] : memref<64x16xf32, #tpu.memory_space<vmem>>[vector<16xi32>, vector<16xi32>], vector<16xf32>,
      %parallel_loop3A_263 = arith.addf %parallel_loop3A_259, %parallel_loop3A_262 : vector<16xf32>
      %parallel_loop3A_264 = arith.constant 10 : i32
      %parallel_loop3A_265 = vector.broadcast %parallel_loop3A_264 : i32 to vector<16xi32>
      %parallel_loop3A_266 = tpu.vector_load_idx %arg12[%parallel_loop3A_221, %parallel_loop3A_265] : memref<64x16xf32, #tpu.memory_space<vmem>>[vector<16xi32>, vector<16xi32>], vector<16xf32>,
      %parallel_loop3A_267 = arith.addf %parallel_loop3A_263, %parallel_loop3A_266 : vector<16xf32>
      %parallel_loop3A_268 = arith.constant 11 : i32
      %parallel_loop3A_269 = vector.broadcast %parallel_loop3A_268 : i32 to vector<16xi32>
      %parallel_loop3A_270 = tpu.vector_load_idx %arg12[%parallel_loop3A_221, %parallel_loop3A_269] : memref<64x16xf32, #tpu.memory_space<vmem>>[vector<16xi32>, vector<16xi32>], vector<16xf32>,
      %parallel_loop3A_271 = arith.addf %parallel_loop3A_267, %parallel_loop3A_270 : vector<16xf32>
      %parallel_loop3A_272 = arith.constant 12 : i32
      %parallel_loop3A_273 = vector.broadcast %parallel_loop3A_272 : i32 to vector<16xi32>
      %parallel_loop3A_274 = tpu.vector_load_idx %arg12[%parallel_loop3A_221, %parallel_loop3A_273] : memref<64x16xf32, #tpu.memory_space<vmem>>[vector<16xi32>, vector<16xi32>], vector<16xf32>,
      %parallel_loop3A_275 = arith.addf %parallel_loop3A_271, %parallel_loop3A_274 : vector<16xf32>
      %parallel_loop3A_276 = arith.constant 13 : i32
      %parallel_loop3A_277 = vector.broadcast %parallel_loop3A_276 : i32 to vector<16xi32>
      %parallel_loop3A_278 = tpu.vector_load_idx %arg12[%parallel_loop3A_221, %parallel_loop3A_277] : memref<64x16xf32, #tpu.memory_space<vmem>>[vector<16xi32>, vector<16xi32>], vector<16xf32>,
      %parallel_loop3A_279 = arith.addf %parallel_loop3A_275, %parallel_loop3A_278 : vector<16xf32>
      %parallel_loop3A_280 = arith.constant 14 : i32
      %parallel_loop3A_281 = vector.broadcast %parallel_loop3A_280 : i32 to vector<16xi32>
      %parallel_loop3A_282 = tpu.vector_load_idx %arg12[%parallel_loop3A_221, %parallel_loop3A_281] : memref<64x16xf32, #tpu.memory_space<vmem>>[vector<16xi32>, vector<16xi32>], vector<16xf32>,
      %parallel_loop3A_283 = arith.addf %parallel_loop3A_279, %parallel_loop3A_282 : vector<16xf32>
      %parallel_loop3A_284 = arith.constant 15 : i32
      %parallel_loop3A_285 = vector.broadcast %parallel_loop3A_284 : i32 to vector<16xi32>
      %parallel_loop3A_286 = tpu.vector_load_idx %arg12[%parallel_loop3A_221, %parallel_loop3A_285] : memref<64x16xf32, #tpu.memory_space<vmem>>[vector<16xi32>, vector<16xi32>], vector<16xf32>,
      %parallel_loop3A_287 = arith.addf %parallel_loop3A_283, %parallel_loop3A_286 : vector<16xf32>
      %parallel_loop3A_288 = arith.constant 1.200000e+01 : f32
      %parallel_loop3A_289 = vector.broadcast %parallel_loop3A_288 : f32 to vector<16xf32>
      %parallel_loop3A_290 = arith.subf %parallel_loop3A_289, %parallel_loop3A_287 : vector<16xf32>
      %parallel_loop3A_291 = arith.constant 16 : i32
      %parallel_loop3A_292 = arith.muli %parallel_loop3A_217, %parallel_loop3A_291 : i32
      %parallel_loop3A_293 = arith.index_cast %parallel_loop3A_292 : i32 to index
      %parallel_loop3A_294 = tpu.vector_load %arg13[%parallel_loop3A_293] {strides = array<i32>} : memref<64xf32, #tpu.memory_space<vmem>>, vector<16xf32>,
      tpu.vector_store %arg13[%parallel_loop3A_293], %parallel_loop3A_290 {strides = array<i32>} : memref<64xf32, #tpu.memory_space<vmem>>, vector<16xf32>,
    } {sc.loop_unroll_factor = 1 : i64, sc.parallel_access}
    "tpu.region"() ({
      %run_scoped3A = tpu.sem_alloc : memref<!tpu.dma_semaphore, #tpu.memory_space<semaphore_mem>>
      %dma_start3A_217 = tpu.memref_slice %arg7[%mul3A_2] : memref<1024xf32, #tpu.memory_space<hbm>> -> memref<64xf32, #tpu.memory_space<hbm>>
      %dma_start3A_218 = tpu.memref_slice %arg7[%mul3A_2] : memref<1024xf32, #tpu.memory_space<hbm>> -> memref<64xf32, #tpu.memory_space<hbm>>
      tpu.enqueue_dma source(%arg13 : memref<64xf32, #tpu.memory_space<vmem>>) target(%dma_start3A_218 : memref<64xf32, #tpu.memory_space<hbm>>) target_semaphore(%run_scoped3A : memref<!tpu.dma_semaphore, #tpu.memory_space<semaphore_mem>>)
      %dma_wait3A_219 = tpu.memref_slice %arg7[%mul3A_2] : memref<1024xf32, #tpu.memory_space<hbm>> -> memref<64xf32, #tpu.memory_space<hbm>>
      %dma_wait3A_220 = tpu.memref_slice %arg7[%mul3A_2] : memref<1024xf32, #tpu.memory_space<hbm>> -> memref<64xf32, #tpu.memory_space<hbm>>
      tpu.wait_dma2 semaphore(%run_scoped3A : memref<!tpu.dma_semaphore, #tpu.memory_space<semaphore_mem>>) src(%arg13 : memref<64xf32, #tpu.memory_space<vmem>>) dst(%dma_wait3A_220 : memref<64xf32, #tpu.memory_space<hbm>>)
      tpu.yield
    }) : () -> ()
    return
  }
}

</mosaic_0001>

<sc_bundles>
// kernel: kernel.3.cloned.1.call-start
scs
__scs_entry_jumppad:
0x0: {  	(pc) =	sbr.rel $0x88, $3  }
0x1: {  	(tag) =	ssettag $0x0;
	lr =	simm.s32 $0x1  }
0x2: {  	[smem:$0x3F9E] =	sst lr;
	_ =	strace $0xD0000000  }
0x3: {  	_ = 	snop  }
0x4: {  	_ = 	snop  }
0x5: {  	_ = 	snop  }
0x6: {  	_ = 	snop  }
0x7: {  	_ = 	snop  }
__scs_overlays_trampoline_lowered:
0x8: {  	[smem:$0x3FAD] =	sst s0  }
0x9: {  	[smem:$0x3FAE] =	sst s1  }
0xa: {  	[smem:$0x3FAF] =	sst s2  }
0xb: {  	[smem:$0x3FB0] =	sst s3  }
0xc: {  	[smem:$0x3FB1] =	sst s4  }
0xd: {  	[smem:$0x3FB2] =	sst s5  }
0xe: {  	[smem:$0x3FB3] =	sst s6  }
0xf: {  	[smem:$0x3FB4] =	sst s7  }
0x10: {  	[smem:$0x3FB5] =	sst s8  }
0x11: {  	[smem:$0x3FB6] =	sst s9;
	s0 =	simm.s32 @!p0 $0x0  }
0x12: {  	s1 =	sld [smem:$0x3F9C];
	s0 =	simm.s32 @p0 $0x1  }
0x13: {  	[smem:$0x3FB7] =	sst s0;
	s0 =	simm.s32 @!p1 $0x0  }
0x14: {  	s2 =	sld [smem:$0x3F9B];
	s0 =	simm.s32 @p1 $0x1  }
0x15: {  	[smem:$0x3FB8] =	sst s0;
	s0 =	simm.s32 @!p2 $0x0  }
0x16: {  	s3 =	sld [smem:$0x3FDB];
	s0 =	simm.s32 @p2 $0x1  }
0x17: {  	s4 =	simm.s32 $0x1BF5;
	[smem:$0x3FBA] =	sst s0  }
0x18: {  	s0 =	sld [smem:$0x3F9D];
	_ =	swait.ge [sflag:s4], $0x0  }
0x19: {  	s7 =	sld [smem:$0x3F9E]  }
0x1a: {  	s8 =	sadd.s32 $0xFFFFE003, lr  }
0x1b: {  	s9 =	sadd.s32 $0xFFFFFEF7, lr;
	s5 =	simm.s32 $0xFFFFFFFF;
	p2 =	slt.u32 s8, $0xFFFFF086  }
0x1c: {  	p1 =	slt.u32 s9, $0xF7A;
	s5 =	simm.s32 @!p2 $0x0  }
0x1d: {  	s5 =	simm.s32 @p1 $0x1;
	p0 =	seq.s32 s7, s2  }
0x1e: {  	s7 =	smul.u32 @!p0 $0xF7A, s2;
	p2 =	seq.s32 @!p0 s5, $0x0  }
0x1f: {  	s9 =	smul.u32 $0xF7A, s1;
	s8 =	simm.s32 @!p0 $0x1BF5;
	p2 =	por !p2, p0  }
0x20: {  	[sflag:s8] =	ssyncset.s32 @!p0 $0xFFFFF086;
	s6 =	sadd.s32 @!p0 s3, s7;
	s7 =	simm.s32 @!p0 $0x108  }
0x21: {  	s3 =	sadd.s32 s3, s9;
	s6 =	sadd.s32 @!p0 $0x88, s6;
	s7 =	simm.s32 @p2 $0x1082  }
0x22: {  	[simem:s7], [sflag:s8] =	dma.local @!p0 [hbm:s6], $0xF7A  }
0x23: {  	s9 =	sor.u32 $0xD0000000, s2;
	s6 =	simm.s32 $0x108;
	_ =	swait.ge @!p0 [sflag:s8], $0x0  }
0x24: {  	s3 =	sadd.s32 $0x88, s3;
	s6 =	simm.s32 @!p1 $0x1082;
	[sflag:s4] =	ssyncset.s32 $0xFFFFF086  }
0x25: {  	[simem:s6], [sflag:s4] =	dma.local [hbm:s3], $0xF7A  }
0x26: {  	[smem:$0x3F9E] =	sst s1;
	(tag) =	ssettag s2;
	_ =	strace s9  }
0x27: {  	s1 =	sld [smem:$0x3FAE]  }
0x28: {  	s2 =	sld [smem:$0x3FAF]  }
0x29: {  	s4 =	sld [smem:$0x3FB1]  }
0x2a: {  	p0 =	seq.s32 s5, $0x0;
	s5 =	sld [smem:$0x3FB2]  }
0x2b: {  	s6 =	sld [smem:$0x3FB3]  }
0x2c: {  	s7 =	sld [smem:$0x3FB4]  }
0x2d: {  	s3 =	simm.s32 $0x108;
	s8 =	sld [smem:$0x3FB5]  }
0x2e: {  	s3 =	simm.s32 @!p0 $0x1082;
	s9 =	sld [smem:$0x3FB6]  }
0x2f: {  	lr =	sadd.s32 s0, s3;
	s0 =	sld [smem:$0x3FAD]  }
0x30: {  	s3 =	sld [smem:$0x3FB0]  }
0x31: {  	[smem:$0x3FB9] =	sst s10  }
0x32: {  	s10 =	sld [smem:$0x3FB7];
	_ =	sdelay $0x3  }
0x33: {  	p0 =	seq.s32 s10, $0x1;
	s10 =	sld [smem:$0x3FB9];
	_ =	sdelay $0x3  }
0x34: {  	[smem:$0x3FB9] =	sst s10  }
0x35: {  	s10 =	sld [smem:$0x3FB8];
	_ =	sdelay $0x3  }
0x36: {  	p1 =	seq.s32 s10, $0x1;
	s10 =	sld [smem:$0x3FB9];
	_ =	sdelay $0x3  }
0x37: {  	[smem:$0x3FB9] =	sst s10  }
0x38: {  	s10 =	sld [smem:$0x3FBA]  }
0x39: {  	_ = 	snop;
	(pc) =	sbr.ind lr, $3  }
0x3a: {  	_ = 	snop  }
0x3b: {  	_ = 	snop  }
0x3c: {  	p2 =	seq.s32 s10, $0x1;
	s10 =	sld [smem:$0x3FB9]  }
0x3d: {  	_ =	shalt  }
0x3e: {  	_ =	shalt  }
0x3f: {  	_ =	shalt  }
0x40: {  	_ =	shalt  }
0x41: {  	_ =	shalt  }
0x42: {  	_ =	shalt  }
0x43: {  	_ =	shalt  }
0x44: {  	_ =	shalt  }
0x45: {  	_ =	shalt  }
0x46: {  	_ =	shalt  }
0x47: {  	_ =	shalt  }
0x48: {  	_ =	shalt  }
0x49: {  	_ =	shalt  }
0x4a: {  	_ =	shalt  }
0x4b: {  	_ =	shalt  }
0x4c: {  	_ =	shalt  }
0x4d: {  	_ =	shalt  }
0x4e: {  	_ =	shalt  }
0x4f: {  	_ =	shalt  }
0x50: {  	_ =	shalt  }
0x51: {  	_ =	shalt  }
0x52: {  	_ =	shalt  }
0x53: {  	_ =	shalt  }
0x54: {  	_ =	shalt  }
0x55: {  	_ =	shalt  }
0x56: {  	_ =	shalt  }
0x57: {  	_ =	shalt  }
0x58: {  	_ =	shalt  }
0x59: {  	_ =	shalt  }
0x5a: {  	_ =	shalt  }
0x5b: {  	_ =	shalt  }
0x5c: {  	_ =	shalt  }
0x5d: {  	_ =	shalt  }
0x5e: {  	_ =	shalt  }
0x5f: {  	_ =	shalt  }
0x60: {  	_ =	shalt  }
0x61: {  	_ =	shalt  }
0x62: {  	_ =	shalt  }
0x63: {  	_ =	shalt  }
0x64: {  	_ =	shalt  }
0x65: {  	_ =	shalt  }
0x66: {  	_ =	shalt  }
0x67: {  	_ =	shalt  }
0x68: {  	_ =	shalt  }
0x69: {  	_ =	shalt  }
0x6a: {  	_ =	shalt  }
0x6b: {  	_ =	shalt  }
0x6c: {  	_ =	shalt  }
0x6d: {  	_ =	shalt  }
0x6e: {  	_ =	shalt  }
0x6f: {  	_ =	shalt  }
0x70: {  	_ =	shalt  }
0x71: {  	_ =	shalt  }
0x72: {  	_ =	shalt  }
0x73: {  	_ =	shalt  }
0x74: {  	_ =	shalt  }
0x75: {  	_ =	shalt  }
0x76: {  	_ =	shalt  }
0x77: {  	_ =	shalt  }
0x78: {  	_ =	shalt  }
0x79: {  	_ =	shalt  }
0x7a: {  	_ =	shalt  }
0x7b: {  	_ =	shalt  }
0x7c: {  	_ =	shalt  }
0x7d: {  	_ =	shalt  }
0x7e: {  	_ =	shalt  }
0x7f: {  	_ =	shalt  }
0x80: {  	_ =	shalt  }
0x81: {  	_ =	shalt  }
0x82: {  	_ =	shalt  }
0x83: {  	_ =	shalt  }
0x84: {  	_ =	shalt  }
0x85: {  	_ =	shalt  }
0x86: {  	_ =	shalt  }
0x87: {  	_ =	shalt  }
.Lfunc_end0:
.L_simem_size_0:
called_computation_lowered:
.L_overlay_start_0:
0x88: {  	s0 =	sld [smem:$0x3FD9]  }
0x89: {  	s1 =	sld [smem:$0x3FFE];
	_ =	sdelay $0x3  }
0x8a: {  	s0 =	sadd.s32 s1, s0  }
0x8b: {  	[smem:$0x3FC5] =	sst s0  }
0x8c: {  	_ = 	snop  }
0x8d: {  	s0 =	sld [smem:$0x3FC8]  }
0x8e: {  	s16 =	sld [smem:$0x3FC7]  }
0x8f: {  	s2 =	sld [smem:$0x3FD0];
	(tm) =	ssettm $0x1  }
0x90: {  	s3 =	sld [smem:$0x3FFB];
	_ =	sdelay $0x3  }
0x91: {  	_ =	strace s3  }
0x92: {  	s3 =	sld [smem:$0x3FFC];
	_ =	sdelay $0x3  }
0x93: {  	_ =	strace s3  }
0x94: {  	s3 =	sld [smem:$0x3FFD];
	_ =	sdelay $0x3  }
0x95: {  	_ =	strace s3  }
0x96: {  	_ =	strace $0x8FFFFFFF  }
0x97: {  	s17 =	sld [smem:$0x3FDB];
	_ =	sdelay $0x1  }
0x98: {  	s4 =	simm.s32 $_scs_section_size  }
0x99: {  	s5 =	simm.s32 $_size__tile_overlayer_lowered;
	s6 =	simm.s32 $_tile_overlayer_lowered  }
0x9a: {  	s20 =	simm.s32 $0x1BFF;
	s19 =	sshll.u32 s6, $0x1;
	s3 =	sadd.s32 s4, s17  }
0x9b: {  	s7 =	simm.s32 $0x0;
	s18 =	sshll.u32 s5, $0x1;
	s5 =	sadd.s32 s19, s3  }
0x9c: {  	[timem:s7], [sflag:s20] =	dma.local [hbm:s5], s18  }
0x9d: {  	_ =	swait.ge [sflag:s20], s18  }
0x9e: {  	s4 =	ssub.s32 $0x0, s18;
	[sflag:s20] =	ssyncset.done $0x0  }
0x9f: {  	[sflag:s20] =	ssyncadd.s32 s4;
	_ =	sdelay $0x1  }
0xa0: {  	s21 =	simm.s32 $0x1B8B  }
0xa1: {  	_ =	swait.ge [sflag:s21], $0x1  }
0xa2: {  	[sflag:s21] =	ssyncset.done $0x0  }
0xa3: {  	s23 =	simm.s32 $0x1B8E;
	s22 =	sld [smem:$0x3FFE];
	[sflag:s21] =	ssyncadd.s32 $0xFFFFFFFF  }
0xa4: {  	s24 =	simm.s32 $execute0_lowered;
	[smem:$0x3FD2] =	sst s23  }
0xa5: {  	s5 =	sshll.u32 s24, $0x1;
	_ =	strace $0x80000046;
	[dreg:$0x1] =	wrdreg $0xFFFFFFFF  }
0xa6: {  	s25 =	simm.s32 $_size_execute0_lowered;
	s3 =	sadd.s32 s3, s5;
	[dreg:$0x0] =	wrdreg $0x0  }
0xa7: {  	s5 =	sshll.u32 s25, $0x1;
	[dreg:$0x2] =	wrdreg s3  }
0xa8: {  	[dreg:$0x3] =	wrdreg s5  }
0xa9: {  	[dreg:$0x4] =	wrdreg $0xC0  }
0xaa: {  	_ =	task [dreg:s7], $0x5FFFF  }
0xab: {  	[dreg:$0x1] =	wrdreg $0xFFFFFFFF  }
0xac: {  	[dreg:$0x0] =	wrdreg $0x60  }
0xad: {  	[dreg:$0x2] =	wrdreg s22  }
0xae: {  	[dreg:$0x3] =	wrdreg s0  }
0xaf: {  	[dreg:$0x4] =	wrdreg s16  }
0xb0: {  	[dreg:$0x5] =	wrdreg s2  }
0xb1: {  	[dreg:$0x6] =	wrdreg $0x9  }
0xb2: {  	_ =	task.clear_ibuf [dreg:s7], $0x7FFFF;
	_ =	strace $0x90000046  }
0xb3: {  	s26 =	simm.s32 $0x9;
	_ =	strace $0x80000048  }
0xb4: {  	_ =	swait.ge [sflag:s26], $0x1  }
0xb5: {  	[sflag:s26] =	ssyncadd.s32 $0xFFFFFFFF  }
0xb6: {  	_ =	strace $0x90000048  }
0xb7: {  	_ =	sfence  }
0xb8: {  	s28 =	sld [smem:$0x0];
	_ =	sdelay $0x1  }
0xb9: {  	s29 =	srdreg.scid  }
0xba: {  	s30 =	sshll.u32 s29, $0xD;
	s31 =	sshrl.u32 s29, $0x2  }
0xbb: {  	s1 =	sand.u32 $0x1, s29;
	s2 =	sand.u32 $0x4000, s30;
	s0 =	sadd.s32 s31, s28  }
0xbc: {  	s1 =	sor.u32 s2, s1;
	s0 =	sshll.u32 s0, $0x11  }
0xbd: {  	s0 =	sor.u32 s0, s1  }
0xbe: {  	s0 =	sadd.s32 $0x8F2B, s0  }
0xbf: {  	[sflag:s0] =	ssyncadd.remote.s32 $0x1  }
0xc0: {  	_ =	sfence.sel $0xFFFF  }
0xc1: {  	[dreg:$0x0] =	wrdreg $0xFFFFFFFF;
	(pc) =	sbr.abs _section_cstart, $3  }
0xc2: {  	[dreg:$0x1] =	wrdreg $0xFFFFFFFF  }
0xc3: {  	_ =	task.clear_ibuf [dreg:s7], $0x2FFFF;
	_ =	strace $0x9FFFFFFF  }
0xc4: {  	(tm) =	ssettm $0x7FFFFFFF  }
0xc5: {  	_ =	shalt  }
tec
execute0_lowered:
.L_overlay_start_1:
0x0: {  	(tag) =	ssettag $0x1  }
0x1: {  	s4 =	rddreg [dreg:$0x0]  }
0x2: {  	s5 =	rddreg [dreg:$0x1]  }
0x3: {  	s6 =	rddreg [dreg:$0x2]  }
0x4: {  	s2 =	rddreg [dreg:$0x3]  }
0x5: {  	s0 =	rddreg [dreg:$0x4];
	s7 =	simm.s32 $0x0;
	s1 =	stileid.u32  }
0x6: {  	[smem:$0x7FF] =	sst s7;
	s8 =	sadd.s32 $0xA00, s4;
	s3 =	sshll.u32 s1, $0x3  }
0x7: {  	s9 =	sadd.s32 $0x600, s4;
	_ =	strace $0x80000047;
	s10 =	sadd.s32 s8, s3  }
0x8: {  	[tilespmem:s7], [sflag:$0x1] =	stream.linear.gather [hbm4b:s10+s7], $0x20, $0x38;
	[tilespmem:$0x8280] =	vst v63  }
0x9: {  	s11 =	simm.s32 $0x20;
	s4 =	sadd.s32 $0x800, s4;
	s18 =	sadd.s32 s9, s3  }
0xa: {  	[tilespmem:s11], [sflag:$0x1] =	stream.linear.gather [hbm4b:s18+s7], $0x20, $0x38;
	[tilespmem:$0x8280] =	vst v63  }
0xb: {  	s12 =	simm.s32 $0x100;
	s20 =	simm.s32 $0x1;
	s19 =	sadd.s32 s4, s3  }
0xc: {  	[tilespmem:s12], [sflag:$0x1] =	stream.linear.gather [hbm4b:s19+s7], $0x20, $0x38;
	[tilespmem:$0x8280] =	vst v63  }
0xd: {  	_ =	swait.ge [sflag:s20], $0x20  }
0xe: {  	[sflag:s20] =	ssyncset.done $0x0  }
0xf: {  	[sflag:s20] =	ssyncadd.s32 $0xFFFFFFE0  }
0x10: {  	_ =	swait.ge [sflag:s20], $0x20  }
0x11: {  	[sflag:s20] =	ssyncset.done $0x0  }
0x12: {  	s13 =	simm.s32 $0x40;
	s14 =	simm.s32 $0x200;
	[sflag:s20] =	ssyncadd.s32 $0xFFFFFFE0  }
0x13: {  	[tilespmem:s14], [sflag:$0x2] =	stream.indirect.gather [hbm4b:s5+s13], $0x80, s7, s13, $0xb8;
	[tilespmem:$0x8280] =	vst v63  }
0x14: {  	_ =	swait.ge [sflag:s20], $0x20  }
0x15: {  	[sflag:s20] =	ssyncset.done $0x0  }
0x16: {  	s21 =	simm.s32 $0x4200;
	s22 =	sor.u32 $0x4, s3;
	[sflag:s20] =	ssyncadd.s32 $0xFFFFFFE0  }
0x17: {  	[tilespmem:s21], [sflag:$0x3] =	stream.indirect.gather [hbm4b:s6+s11], $0x80, s12, s11, $0xb8;
	[tilespmem:$0x8280] =	vst v63  }
0x18: {  	s23 =	simm.s32 $0x80;
	s8 =	sadd.s32 s8, s22  }
0x19: {  	[tilespmem:s23], [sflag:$0x1] =	stream.linear.gather [hbm4b:s8+s7], $0x20, $0x38;
	[tilespmem:$0x8280] =	vst v63  }
0x1a: {  	s25 =	simm.s32 $0xA0;
	s24 =	sadd.s32 s9, s22  }
0x1b: {  	[tilespmem:s25], [sflag:$0x1] =	stream.linear.gather [hbm4b:s24+s7], $0x20, $0x38;
	[tilespmem:$0x8280] =	vst v63  }
0x1c: {  	s26 =	simm.s32 $0x180;
	s4 =	sadd.s32 s4, s22  }
0x1d: {  	[tilespmem:s26], [sflag:$0x1] =	stream.linear.gather [hbm4b:s4+s7], $0x20, $0x38;
	[tilespmem:$0x8280] =	vst v63  }
0x1e: {  	_ =	swait.ge [sflag:s20], $0x20  }
0x1f: {  	[sflag:s20] =	ssyncset.done $0x0  }
0x20: {  	[sflag:s20] =	ssyncadd.s32 $0xFFFFFFE0  }
0x21: {  	_ =	swait.ge [sflag:s20], $0x20  }
0x22: {  	[sflag:s20] =	ssyncset.done $0x0  }
0x23: {  	s28 =	simm.s32 $0x2200;
	[sflag:s20] =	ssyncadd.s32 $0xFFFFFFE0  }
0x24: {  	[tilespmem:s28], [sflag:$0x4] =	stream.indirect.gather [hbm4b:s5+s13], $0x80, s23, s13, $0xb8;
	[tilespmem:$0x8280] =	vst v63  }
0x25: {  	_ =	swait.ge [sflag:s20], $0x20  }
0x26: {  	[sflag:s20] =	ssyncset.done $0x0  }
0x27: {  	s29 =	simm.s32 $0x5200;
	s30 =	simm.s32 $0x2;
	[sflag:s20] =	ssyncadd.s32 $0xFFFFFFE0  }
0x28: {  	[tilespmem:s29], [sflag:$0x5] =	stream.indirect.gather [hbm4b:s6+s11], $0x80, s26, s11, $0xb8;
	[tilespmem:$0x8280] =	vst v63  }
0x29: {  	_ =	swait.ge [sflag:s30], $0x2000  }
0x2a: {  	[sflag:s30] =	ssyncset.done $0x0  }
0x2b: {  	s31 =	simm.s32 $0x3;
	[sflag:s30] =	ssyncadd.s32 $0xFFFFE000  }
0x2c: {  	_ =	swait.ge [sflag:s31], $0x1000  }
0x2d: {  	[sflag:s31] =	ssyncset.done $0x0  }
0x2e: {  	s4 =	simm.s32 $0x0;
	[sflag:s31] =	ssyncadd.s32 $0xFFFFF000  }
0x2f: {  	v4 =	vld [tilespmem:s4+$0x260]  }
0x30: {  	v2 =	vld [tilespmem:s4+$0x250]  }
0x31: {  	v0 =	vld [tilespmem:s4+$0x240]  }
0x32: {  	v1 =	vld [tilespmem:s4+$0x230]  }
0x33: {  	v3 =	vld [tilespmem:s4+$0x4230]  }
0x34: {  	v5 =	vld [tilespmem:s4+$0x200]  }
0x35: {  	v6 =	vld [tilespmem:s4+$0x4220]  }
0x36: {  	v7 =	vld [tilespmem:s4+$0x4200]  }
0x37: {  	v8 =	vld [tilespmem:s4+$0x1200]  }
0x38: {  	v9 =	vld [tilespmem:s4+$0x4210]  }
0x39: {  	v10 =	vld [tilespmem:s4+$0x1210]  }
0x3a: {  	v11 =	vld [tilespmem:s4+$0x1220]  }
0x3b: {  	v12 =	vld [tilespmem:s4+$0x210]  }
0x3c: {  	v13 =	vld [tilespmem:s4+$0x1230]  }
0x3d: {  	v14 =	vld [tilespmem:s4+$0x220]  }
0x3e: {  	v15 =	vld [tilespmem:s4+$0x4240];
	v7 =	vsub.f32 v7, v8;
	v8 =	vsub.f32 v9, v10  }
0x3f: {  	v9 =	vld [tilespmem:s4+$0x1240];
	v6 =	vsub.f32 v6, v11  }
0x40: {  	v10 =	vld [tilespmem:s4+$0x4250];
	v5 =	vadd.f32 v7, v5;
	v7 =	vadd.f32 v8, v12  }
0x41: {  	v3 =	vsub.f32 v3, v13;
	v8 =	vld [tilespmem:s4+$0x1250]  }
0x42: {  	v62 =	vld [tilespmem:s4+$0x1260];
	v6 =	vadd.f32 v6, v14;
	v5 =	vand.u32 $0x7FFFFFFF, v5;
	v7 =	vand.u32 $0x7FFFFFFF, v7  }
0x43: {  	v11 =	vld [tilespmem:s4+$0x4260];
	v5 =	vadd.f32 v7, v5  }
0x44: {  	v1 =	vadd.f32 v3, v1;
	v6 =	vand.u32 $0x7FFFFFFF, v6;
	v7 =	vld [tilespmem:s4+$0x4270];
	v3 =	vsub.f32 v15, v9  }
0x45: {  	s5 =	simm.s32 $0x80;
	v9 =	vld [tilespmem:s4+$0x1270];
	v5 =	vadd.f32 v6, v5  }
0x46: {  	v63 =	vand.u32 $0x7FFFFFFF, v1;
	v1 =	vld [tilespmem:s5+$0x260];
	v3 =	vadd.f32 v3, v0;
	v8 =	vsub.f32 v10, v8  }
0x47: {  	v6 =	vld [tilespmem:s4+$0x270];
	v5 =	vadd.f32 v63, v5  }
0x48: {  	v0 =	vld [tilespmem:s5+$0x250];
	v10 =	vsub.f32 v11, v62;
	v3 =	vand.u32 $0x7FFFFFFF, v3;
	v8 =	vadd.f32 v8, v2  }
0x49: {  	v2 =	vld [tilespmem:s5+$0x240];
	v5 =	vadd.f32 v3, v5  }
0x4a: {  	v10 =	vadd.f32 v10, v4;
	v4 =	vld [tilespmem:s5+$0x4230];
	v7 =	vsub.f32 v7, v9;
	v8 =	vand.u32 $0x7FFFFFFF, v8  }
0x4b: {  	v3 =	vld [tilespmem:s5+$0x230];
	v8 =	vadd.f32 v8, v5  }
0x4c: {  	v9 =	vand.u32 $0x7FFFFFFF, v10;
	v6 =	vadd.f32 v7, v6;
	v7 =	vld [tilespmem:s5+$0x4220]  }
0x4d: {  	v5 =	vld [tilespmem:s5+$0x200];
	v10 =	vadd.f32 v9, v8  }
0x4e: {  	v6 =	vand.u32 $0x7FFFFFFF, v6;
	v8 =	vld [tilespmem:s5+$0x4200]  }
0x4f: {  	v9 =	vld [tilespmem:s5+$0x1200];
	v6 =	vadd.f32 v6, v10  }
0x50: {  	s6 =	simm.s32 $0x400;
	v10 =	vld [tilespmem:s5+$0x4210]  }
.LBB2_1:
0x51: {  	p0 =	sne.s32 s6, $0x3E00;
	v11 =	vld [tilespmem:s5+$0x1210];
	[tilespmem:s4+$0x6200] =	vst v6;
	s4 =	smov.u32 s5  }
0x52: {  	v6 =	vld [tilespmem:s4+$0x1220]  }
0x53: {  	v12 =	vld [tilespmem:s4+$0x210]  }
0x54: {  	v13 =	vld [tilespmem:s4+$0x1230]  }
0x55: {  	v14 =	vld [tilespmem:s4+$0x220]  }
0x56: {  	v8 =	vsub.f32 v8, v9;
	v9 =	vsub.f32 v10, v11;
	v10 =	vld [tilespmem:s4+$0x4240]  }
0x57: {  	v6 =	vsub.f32 v7, v6;
	v7 =	vld [tilespmem:s4+$0x1240]  }
0x58: {  	v5 =	vadd.f32 v8, v5;
	v8 =	vadd.f32 v9, v12;
	v9 =	vld [tilespmem:s4+$0x4250]  }
0x59: {  	v4 =	vsub.f32 v4, v13;
	v11 =	vld [tilespmem:s4+$0x1250]  }
0x5a: {  	v5 =	vand.u32 $0x7FFFFFFF, v5;
	v8 =	vand.u32 $0x7FFFFFFF, v8;
	v6 =	vadd.f32 v6, v14;
	v12 =	vld [tilespmem:s4+$0x4260]  }
0x5b: {  	v5 =	vadd.f32 v8, v5;
	v8 =	vld [tilespmem:s4+$0x1260]  }
0x5c: {  	v3 =	vadd.f32 v4, v3;
	v6 =	vand.u32 $0x7FFFFFFF, v6;
	v4 =	vsub.f32 v10, v7;
	v7 =	vld [tilespmem:s4+$0x4270]  }
0x5d: {  	v5 =	vadd.f32 v6, v5;
	v6 =	vld [tilespmem:s4+$0x1270]  }
0x5e: {  	s5 =	sshra.s32 s6, $0x2;
	v3 =	vand.u32 $0x7FFFFFFF, v3;
	v2 =	vadd.f32 v4, v2;
	v4 =	vsub.f32 v9, v11;
	v9 =	vld [tilespmem:s4+$0x270]  }
0x5f: {  	v10 =	vld [tilespmem:s5+$0x260];
	v3 =	vadd.f32 v3, v5  }
0x60: {  	v5 =	vand.u32 $0x7FFFFFFF, v2;
	v4 =	vadd.f32 v4, v0;
	v0 =	vld [tilespmem:s5+$0x250];
	v8 =	vsub.f32 v12, v8  }
0x61: {  	v2 =	vld [tilespmem:s5+$0x240];
	v5 =	vadd.f32 v5, v3  }
0x62: {  	v3 =	vld [tilespmem:s5+$0x230];
	v11 =	vand.u32 $0x7FFFFFFF, v4;
	v12 =	vadd.f32 v8, v1;
	v6 =	vsub.f32 v7, v6  }
0x63: {  	v4 =	vld [tilespmem:s5+$0x4230];
	v8 =	vadd.f32 v11, v5  }
.Ltmp0:
0x64: {  	v5 =	vld [tilespmem:s5+$0x200];
	v11 =	vand.u32 $0x7FFFFFFF, v12;
	v6 =	vadd.f32 v6, v9;
	v1 =	vmov v10;
	(pc) =	sbr.rel @p0 .LBB2_1-.Ltmp0, $4  }
0x65: {  	v7 =	vld [tilespmem:s5+$0x4220];
	v10 =	vadd.f32 v11, v8  }
0x66: {  	v8 =	vld [tilespmem:s5+$0x4200];
	v6 =	vand.u32 $0x7FFFFFFF, v6  }
0x67: {  	v9 =	vld [tilespmem:s5+$0x1200];
	v6 =	vadd.f32 v6, v10  }
0x68: {  	s6 =	sadd.s32 $0x200, s6;
	v10 =	vld [tilespmem:s5+$0x4210]  }
0x69: {  	v11 =	vld [tilespmem:s5+$0x1210]  }
0x6a: {  	v12 =	vld [tilespmem:s5+$0x1220]  }
0x6b: {  	v13 =	vld [tilespmem:s5+$0x210]  }
0x6c: {  	v14 =	vld [tilespmem:s5+$0x1230]  }
0x6d: {  	v15 =	vld [tilespmem:s5+$0x220]  }
0x6e: {  	v8 =	vsub.f32 v8, v9;
	v9 =	vsub.f32 v10, v11;
	v10 =	vld [tilespmem:s5+$0x4240]  }
0x6f: {  	v7 =	vsub.f32 v7, v12;
	v11 =	vld [tilespmem:s5+$0x1240]  }
0x70: {  	v56 =	vld [tilespmem:s5+$0x1250];
	v5 =	vadd.f32 v8, v5;
	v8 =	vadd.f32 v9, v13  }
0x71: {  	v4 =	vsub.f32 v4, v14;
	v9 =	vld [tilespmem:s5+$0x4250]  }
0x72: {  	v57 =	vld [tilespmem:s5+$0x4260];
	v5 =	vand.u32 $0x7FFFFFFF, v5;
	v7 =	vadd.f32 v7, v15;
	v8 =	vand.u32 $0x7FFFFFFF, v8  }
0x73: {  	v5 =	vadd.f32 v8, v5;
	v8 =	vld [tilespmem:s5+$0x1260]  }
0x74: {  	v3 =	vadd.f32 v4, v3;
	v7 =	vand.u32 $0x7FFFFFFF, v7;
	v4 =	vsub.f32 v10, v11;
	v10 =	vld [tilespmem:s5+$0x4270]  }
0x75: {  	v5 =	vadd.f32 v7, v5;
	v7 =	vld [tilespmem:s5+$0x1270]  }
0x76: {  	v3 =	vand.u32 $0x7FFFFFFF, v3;
	v2 =	vadd.f32 v4, v2;
	v4 =	vsub.f32 v9, v56  }
0x77: {  	v9 =	vld [tilespmem:s5+$0x270];
	v3 =	vadd.f32 v3, v5  }
0x78: {  	v2 =	vand.u32 $0x7FFFFFFF, v2;
	v0 =	vadd.f32 v4, v0;
	v4 =	vsub.f32 v57, v8  }
0x79: {  	v2 =	vadd.f32 v2, v3  }
0x7a: {  	v0 =	vand.u32 $0x7FFFFFFF, v0;
	v1 =	vadd.f32 v4, v1;
	v3 =	vsub.f32 v10, v7  }
0x7b: {  	v0 =	vadd.f32 v0, v2  }
0x7c: {  	v1 =	vand.u32 $0x7FFFFFFF, v1;
	v2 =	vadd.f32 v3, v9  }
0x7d: {  	v0 =	vadd.f32 v1, v0  }
0x7e: {  	v1 =	vand.u32 $0x7FFFFFFF, v2  }
0x7f: {  	v0 =	vadd.f32 v1, v0  }
0x80: {  	[tilespmem:s4+$0x6200] =	vst v6  }
0x81: {  	s30 =	simm.s32 $0x4;
	[tilespmem:s5+$0x6200] =	vst v0  }
0x82: {  	_ =	swait.ge [sflag:s30], $0x2000  }
0x83: {  	[sflag:s30] =	ssyncset.done $0x0  }
0x84: {  	s31 =	simm.s32 $0x5;
	[sflag:s30] =	ssyncadd.s32 $0xFFFFE000  }
0x85: {  	_ =	swait.ge [sflag:s31], $0x1000  }
0x86: {  	[sflag:s31] =	ssyncset.done $0x0  }
0x87: {  	s4 =	simm.s32 $0x0;
	[sflag:s31] =	ssyncadd.s32 $0xFFFFF000  }
0x88: {  	v4 =	vld [tilespmem:s4+$0x2260]  }
0x89: {  	v2 =	vld [tilespmem:s4+$0x2250]  }
0x8a: {  	v0 =	vld [tilespmem:s4+$0x2240]  }
0x8b: {  	v1 =	vld [tilespmem:s4+$0x2230]  }
0x8c: {  	v3 =	vld [tilespmem:s4+$0x5230]  }
0x8d: {  	v5 =	vld [tilespmem:s4+$0x2200]  }
0x8e: {  	v6 =	vld [tilespmem:s4+$0x5220]  }
0x8f: {  	v7 =	vld [tilespmem:s4+$0x5200]  }
0x90: {  	v8 =	vld [tilespmem:s4+$0x3200]  }
0x91: {  	v9 =	vld [tilespmem:s4+$0x5210]  }
0x92: {  	v10 =	vld [tilespmem:s4+$0x3210]  }
0x93: {  	v11 =	vld [tilespmem:s4+$0x3220]  }
0x94: {  	v58 =	vld [tilespmem:s4+$0x2210]  }
0x95: {  	v59 =	vld [tilespmem:s4+$0x3230]  }
0x96: {  	v60 =	vld [tilespmem:s4+$0x2220]  }
0x97: {  	v61 =	vld [tilespmem:s4+$0x5240];
	v7 =	vsub.f32 v7, v8;
	v8 =	vsub.f32 v9, v10  }
0x98: {  	v9 =	vld [tilespmem:s4+$0x3240];
	v6 =	vsub.f32 v6, v11  }
0x99: {  	v10 =	vld [tilespmem:s4+$0x5250];
	v5 =	vadd.f32 v7, v5;
	v7 =	vadd.f32 v8, v58  }
0x9a: {  	v3 =	vsub.f32 v3, v59;
	v8 =	vld [tilespmem:s4+$0x3250]  }
0x9b: {  	v62 =	vld [tilespmem:s4+$0x3260];
	v6 =	vadd.f32 v6, v60;
	v5 =	vand.u32 $0x7FFFFFFF, v5;
	v7 =	vand.u32 $0x7FFFFFFF, v7  }
0x9c: {  	v11 =	vld [tilespmem:s4+$0x5260];
	v5 =	vadd.f32 v7, v5  }
0x9d: {  	v1 =	vadd.f32 v3, v1;
	v6 =	vand.u32 $0x7FFFFFFF, v6;
	v7 =	vld [tilespmem:s4+$0x5270];
	v3 =	vsub.f32 v61, v9  }
0x9e: {  	v9 =	vld [tilespmem:s4+$0x3270];
	v5 =	vadd.f32 v6, v5  }
0x9f: {  	s6 =	simm.s32 $0x80;
	v63 =	vld [tilespmem:s4+$0x2270];
	v6 =	vand.u32 $0x7FFFFFFF, v1;
	v3 =	vadd.f32 v3, v0;
	v8 =	vsub.f32 v10, v8  }
0xa0: {  	v1 =	vld [tilespmem:s6+$0x2260];
	v5 =	vadd.f32 v6, v5  }
0xa1: {  	v0 =	vld [tilespmem:s6+$0x2250];
	v3 =	vand.u32 $0x7FFFFFFF, v3;
	v6 =	vadd.f32 v8, v2;
	v8 =	vsub.f32 v11, v62  }
0xa2: {  	v2 =	vld [tilespmem:s6+$0x2240];
	v5 =	vadd.f32 v3, v5  }
0xa3: {  	v7 =	vsub.f32 v7, v9;
	v3 =	vld [tilespmem:s6+$0x2230];
	v6 =	vand.u32 $0x7FFFFFFF, v6;
	v8 =	vadd.f32 v8, v4  }
0xa4: {  	v4 =	vld [tilespmem:s6+$0x5230];
	v5 =	vadd.f32 v6, v5  }
0xa5: {  	v9 =	vadd.f32 v7, v63;
	v7 =	vld [tilespmem:s6+$0x5220];
	v8 =	vand.u32 $0x7FFFFFFF, v8  }
0xa6: {  	v6 =	vld [tilespmem:s6+$0x2200];
	v5 =	vadd.f32 v8, v5  }
0xa7: {  	v10 =	vand.u32 $0x7FFFFFFF, v9;
	v9 =	vld [tilespmem:s6+$0x3200]  }
0xa8: {  	v8 =	vld [tilespmem:s6+$0x5200];
	v5 =	vadd.f32 v10, v5  }
0xa9: {  	s7 =	simm.s32 $0x400;
	s5 =	simm.s32 $0x0;
	v10 =	vld [tilespmem:s6+$0x5210]  }
.LBB2_3:
0xaa: {  	p0 =	sne.s32 s7, $0x3E00;
	v11 =	vld [tilespmem:s6+$0x3210];
	[tilespmem:s4+$0x7200] =	vst v5;
	s4 =	smov.u32 s6  }
0xab: {  	v5 =	vld [tilespmem:s4+$0x3220]  }
0xac: {  	v12 =	vld [tilespmem:s4+$0x2210]  }
0xad: {  	v13 =	vld [tilespmem:s4+$0x3230]  }
0xae: {  	v14 =	vld [tilespmem:s4+$0x2220]  }
0xaf: {  	v8 =	vsub.f32 v8, v9;
	v9 =	vsub.f32 v10, v11;
	v10 =	vld [tilespmem:s4+$0x5240]  }
0xb0: {  	v5 =	vsub.f32 v7, v5;
	v7 =	vld [tilespmem:s4+$0x3240]  }
0xb1: {  	v6 =	vadd.f32 v8, v6;
	v8 =	vadd.f32 v9, v12;
	v9 =	vld [tilespmem:s4+$0x5250]  }
0xb2: {  	v4 =	vsub.f32 v4, v13;
	v11 =	vld [tilespmem:s4+$0x3250]  }
0xb3: {  	v6 =	vand.u32 $0x7FFFFFFF, v6;
	v8 =	vand.u32 $0x7FFFFFFF, v8;
	v5 =	vadd.f32 v5, v14;
	v12 =	vld [tilespmem:s4+$0x5260]  }
0xb4: {  	v6 =	vadd.f32 v8, v6;
	v8 =	vld [tilespmem:s4+$0x3260]  }
0xb5: {  	v3 =	vadd.f32 v4, v3;
	v5 =	vand.u32 $0x7FFFFFFF, v5;
	v4 =	vsub.f32 v10, v7;
	v7 =	vld [tilespmem:s4+$0x5270]  }
0xb6: {  	v5 =	vadd.f32 v5, v6;
	v6 =	vld [tilespmem:s4+$0x3270]  }
0xb7: {  	s6 =	sshra.s32 s7, $0x2;
	v3 =	vand.u32 $0x7FFFFFFF, v3;
	v2 =	vadd.f32 v4, v2;
	v4 =	vsub.f32 v9, v11;
	v9 =	vld [tilespmem:s4+$0x2270]  }
0xb8: {  	v10 =	vld [tilespmem:s6+$0x2260];
	v3 =	vadd.f32 v3, v5  }
0xb9: {  	v5 =	vand.u32 $0x7FFFFFFF, v2;
	v4 =	vadd.f32 v4, v0;
	v0 =	vld [tilespmem:s6+$0x2250];
	v8 =	vsub.f32 v12, v8  }
0xba: {  	v2 =	vld [tilespmem:s6+$0x2240];
	v5 =	vadd.f32 v5, v3  }
0xbb: {  	v3 =	vld [tilespmem:s6+$0x2230];
	v11 =	vand.u32 $0x7FFFFFFF, v4;
	v12 =	vadd.f32 v8, v1;
	v7 =	vsub.f32 v7, v6  }
0xbc: {  	v4 =	vld [tilespmem:s6+$0x5230];
	v5 =	vadd.f32 v11, v5  }
.Ltmp1:
0xbd: {  	v6 =	vld [tilespmem:s6+$0x2200];
	v8 =	vand.u32 $0x7FFFFFFF, v12;
	v9 =	vadd.f32 v7, v9;
	v1 =	vmov v10;
	(pc) =	sbr.rel @p0 .LBB2_3-.Ltmp1, $4  }
0xbe: {  	v7 =	vld [tilespmem:s6+$0x5220];
	v5 =	vadd.f32 v8, v5  }
0xbf: {  	v8 =	vld [tilespmem:s6+$0x5200];
	v10 =	vand.u32 $0x7FFFFFFF, v9  }
0xc0: {  	v9 =	vld [tilespmem:s6+$0x3200];
	v5 =	vadd.f32 v10, v5  }
0xc1: {  	s7 =	sadd.s32 $0x200, s7;
	v10 =	vld [tilespmem:s6+$0x5210]  }
0xc2: {  	v11 =	vld [tilespmem:s6+$0x3210]  }
0xc3: {  	v12 =	vld [tilespmem:s6+$0x3220]  }
0xc4: {  	v13 =	vld [tilespmem:s6+$0x2210]  }
0xc5: {  	v14 =	vld [tilespmem:s6+$0x3230]  }
0xc6: {  	v15 =	vld [tilespmem:s6+$0x2220]  }
0xc7: {  	v16 =	vld [tilespmem:s6+$0x5240]  }
0xc8: {  	v8 =	vsub.f32 v8, v9;
	v9 =	vsub.f32 v10, v11;
	v10 =	vld [tilespmem:s6+$0x3240]  }
0xc9: {  	v7 =	vsub.f32 v7, v12;
	v11 =	vld [tilespmem:s6+$0x5250]  }
0xca: {  	v6 =	vadd.f32 v8, v6;
	v8 =	vadd.f32 v9, v13;
	v9 =	vld [tilespmem:s6+$0x3250]  }
0xcb: {  	v4 =	vsub.f32 v4, v14  }
0xcc: {  	v12 =	vld [tilespmem:s6+$0x5260];
	v6 =	vand.u32 $0x7FFFFFFF, v6;
	v7 =	vadd.f32 v7, v15;
	v8 =	vand.u32 $0x7FFFFFFF, v8  }
0xcd: {  	v6 =	vadd.f32 v8, v6;
	v8 =	vld [tilespmem:s6+$0x3260]  }
0xce: {  	v3 =	vadd.f32 v4, v3;
	v7 =	vand.u32 $0x7FFFFFFF, v7;
	v4 =	vsub.f32 v16, v10;
	v10 =	vld [tilespmem:s6+$0x5270]  }
0xcf: {  	v6 =	vadd.f32 v7, v6;
	v7 =	vld [tilespmem:s6+$0x3270];
	v9 =	vsub.f32 v11, v9  }
0xd0: {  	v3 =	vand.u32 $0x7FFFFFFF, v3;
	v2 =	vadd.f32 v4, v2  }
0xd1: {  	v4 =	vld [tilespmem:s6+$0x2270];
	v3 =	vadd.f32 v3, v6;
	v0 =	vadd.f32 v9, v0  }
0xd2: {  	v2 =	vand.u32 $0x7FFFFFFF, v2;
	v6 =	vsub.f32 v12, v8  }
0xd3: {  	v2 =	vadd.f32 v2, v3;
	v0 =	vand.u32 $0x7FFFFFFF, v0  }
0xd4: {  	v1 =	vadd.f32 v6, v1;
	v3 =	vsub.f32 v10, v7;
	v6 =	vlaneseq.u32  }
0xd5: {  	v2 =	vadd.f32 v0, v2;
	v0 =	vmul.u32 $0x80, v6;
	v6 =	vmov s5  }
0xd6: {  	v1 =	vand.u32 $0x7FFFFFFF, v1;
	v3 =	vadd.f32 v3, v4;
	v4 =	vshll.u32 v6, $0x7  }
0xd7: {  	v1 =	vadd.f32 v1, v2;
	v2 =	vor.u32 v0, v4  }
0xd8: {  	v3 =	vand.u32 $0x7FFFFFFF, v3  }
0xd9: {  	v1 =	vadd.f32 v3, v1;
	v3 =	vor.u32 $0x1, v2  }
0xda: {  	[tilespmem:s4+$0x7200] =	vst v5  }
0xdb: {  	s4 =	simm.s32 $0x6200;
	[tilespmem:s6+$0x7200] =	vst v1;
	v1 =	vor.u32 $0x2, v2  }
0xdc: {  	v4 =	vld.idx.msk [tilespmem:v2+s4+$0x0], $0xffff  }
0xdd: {  	v5 =	vor.u32 $0x3, v2  }
0xde: {  	v3 =	vld.idx.msk [tilespmem:v3+s4+$0x0], $0xffff  }
0xdf: {  	v6 =	vor.u32 $0x4, v2  }
0xe0: {  	v1 =	vld.idx.msk [tilespmem:v1+s4+$0x0], $0xffff  }
0xe1: {  	v7 =	vor.u32 $0x5, v2;
	v4 =	vadd.f32 $0.0e+00, v4  }
0xe2: {  	v5 =	vld.idx.msk [tilespmem:v5+s4+$0x0], $0xffff  }
0xe3: {  	v8 =	vor.u32 $0x6, v2;
	v3 =	vadd.f32 v3, v4  }
0xe4: {  	v4 =	vld.idx.msk [tilespmem:v6+s4+$0x0], $0xffff  }
0xe5: {  	v6 =	vor.u32 $0x7, v2;
	v1 =	vadd.f32 v1, v3  }
0xe6: {  	v3 =	vld.idx.msk [tilespmem:v7+s4+$0x0], $0xffff  }
0xe7: {  	v7 =	vor.u32 $0x8, v2;
	v1 =	vadd.f32 v5, v1  }
0xe8: {  	v5 =	vld.idx.msk [tilespmem:v8+s4+$0x0], $0xffff  }
0xe9: {  	v8 =	vor.u32 $0x9, v2;
	v1 =	vadd.f32 v4, v1  }
0xea: {  	v4 =	vld.idx.msk [tilespmem:v6+s4+$0x0], $0xffff  }
0xeb: {  	v6 =	vor.u32 $0xA, v2;
	v1 =	vadd.f32 v3, v1  }
0xec: {  	s31 =	simm.s32 $0x10;
	v3 =	vld.idx.msk [tilespmem:v7+s4+$0x0], $0xffff  }
0xed: {  	v9 =	vmov s31;
	v7 =	vor.u32 $0xB, v2;
	v1 =	vadd.f32 v5, v1  }
0xee: {  	v9 =	vshll.u32 v9, $0x7;
	v8 =	vld.idx.msk [tilespmem:v8+s4+$0x0], $0xffff;
	v5 =	vor.u32 $0xC, v2  }
0xef: {  	v11 =	vor.u32 v0, v9;
	v1 =	vadd.f32 v4, v1  }
0xf0: {  	v6 =	vld.idx.msk [tilespmem:v6+s4+$0x0], $0xffff;
	v4 =	vor.u32 $0xD, v2  }
0xf1: {  	v9 =	vor.u32 $0x1, v11;
	v1 =	vadd.f32 v3, v1  }
0xf2: {  	v7 =	vld.idx.msk [tilespmem:v7+s4+$0x0], $0xffff;
	v3 =	vor.u32 $0xE, v2  }
0xf3: {  	v10 =	vor.u32 $0x2, v11;
	v5 =	vld.idx.msk [tilespmem:v5+s4+$0x0], $0xffff;
	v1 =	vadd.f32 v8, v1  }
0xf4: {  	v12 =	vor.u32 $0x3, v11;
	v8 =	vld.idx.msk [tilespmem:v11+s4+$0x0], $0xffff  }
0xf5: {  	v2 =	vor.u32 $0xF, v2;
	v4 =	vld.idx.msk [tilespmem:v4+s4+$0x0], $0xffff;
	v1 =	vadd.f32 v6, v1  }
0xf6: {  	v6 =	vld.idx.msk [tilespmem:v9+s4+$0x0], $0xffff  }
0xf7: {  	v9 =	vor.u32 $0x4, v11;
	v3 =	vld.idx.msk [tilespmem:v3+s4+$0x0], $0xffff;
	v1 =	vadd.f32 v7, v1  }
0xf8: {  	v7 =	vld.idx.msk [tilespmem:v10+s4+$0x0], $0xffff  }
0xf9: {  	v13 =	vor.u32 $0x5, v11;
	v12 =	vld.idx.msk [tilespmem:v12+s4+$0x0], $0xffff;
	v8 =	vadd.f32 $0.0e+00, v8;
	v1 =	vadd.f32 v5, v1  }
0xfa: {  	v2 =	vld.idx.msk [tilespmem:v2+s4+$0x0], $0xffff;
	v10 =	vor.u32 $0x8, v11  }
0xfb: {  	v14 =	vor.u32 $0x6, v11;
	v5 =	vadd.f32 v6, v8;
	v1 =	vadd.f32 v4, v1  }
0xfc: {  	v15 =	vor.u32 $0x7, v11;
	v63 =	vld.idx.msk [tilespmem:v9+s4+$0x0], $0xffff  }
0xfd: {  	v6 =	vadd.f32 v7, v5;
	v1 =	vadd.f32 v3, v1  }
0xfe: {  	v9 =	vld.idx.msk [tilespmem:v13+s4+$0x0], $0xffff;
	v4 =	vor.u32 $0xB, v11;
	v7 =	vor.u32 $0x9, v11  }
0xff: {  	v5 =	vor.u32 $0xA, v11;
	v8 =	vld.idx.msk [tilespmem:v10+s4+$0x0], $0xffff;
	v12 =	vadd.f32 v12, v6;
	v17 =	vadd.f32 v2, v1  }
0x100: {  	v10 =	vld.idx.msk [tilespmem:v14+s4+$0x0], $0xffff;
	v3 =	vor.u32 $0xC, v11;
	v6 =	vor.u32 $0xF, v11;
	v2 =	vor.u32 $0xD, v11  }
0x101: {  	s5 =	simm.s32 $0x8200;
	s6 =	simm.s32 $0x20;
	v1 =	vor.u32 $0xE, v11;
	v11 =	vld.idx.msk [tilespmem:v15+s4+$0x0], $0xffff;
	v13 =	vadd.f32 v63, v12;
	v12 =	vsub.f32 $1.200000000e+01, v17  }
.LBB2_5:
0x102: {  	p0 =	sne.s32 s6, $0x30  }
0x103: {  	s7 =	smov.u32 s6;
	s6 =	sadd.s32 $0x10, s6;
	v9 =	vadd.f32 v9, v13;
	[tilespmem:s5+$0x0] =	vst v12;
	s5 =	sadd.s32 $0x10, s5  }
0x104: {  	v12 =	vmov s7  }
0x105: {  	v12 =	vshll.u32 v12, $0x7;
	v9 =	vadd.f32 v10, v9;
	v10 =	vld.idx.msk [tilespmem:v7+s4+$0x0], $0xffff  }
0x106: {  	v12 =	vor.u32 v0, v12  }
0x107: {  	v13 =	vor.u32 $0x1, v12;
	v14 =	vor.u32 $0x2, v12;
	v7 =	vadd.f32 v11, v9;
	v9 =	vld.idx.msk [tilespmem:v5+s4+$0x0], $0xffff  }
0x108: {  	v15 =	vor.u32 $0x4, v12;
	v16 =	vor.u32 $0x5, v12;
	v11 =	vor.u32 $0x3, v12;
	v17 =	vld.idx.msk [tilespmem:v6+s4+$0x0], $0xffff  }
0x109: {  	v18 =	vor.u32 $0x6, v12;
	v19 =	vor.u32 $0x7, v12;
	v6 =	vadd.f32 v8, v7;
	v8 =	vld.idx.msk [tilespmem:v4+s4+$0x0], $0xffff  }
0x10a: {  	v20 =	vor.u32 $0x8, v12;
	v5 =	vor.u32 $0xA, v12;
	v7 =	vor.u32 $0x9, v12;
	v21 =	vld.idx.msk [tilespmem:v3+s4+$0x0], $0xffff  }
0x10b: {  	v4 =	vor.u32 $0xB, v12;
	v3 =	vor.u32 $0xC, v12;
	v22 =	vld.idx.msk [tilespmem:v12+s4+$0x0], $0xffff;
	v10 =	vadd.f32 v10, v6  }
0x10c: {  	v23 =	vor.u32 $0xE, v12;
	v6 =	vor.u32 $0xF, v12;
	v24 =	vld.idx.msk [tilespmem:v2+s4+$0x0], $0xffff;
	v2 =	vor.u32 $0xD, v12  }
0x10d: {  	v12 =	vld.idx.msk [tilespmem:v13+s4+$0x0], $0xffff;
	v9 =	vadd.f32 v9, v10  }
0x10e: {  	v10 =	vld.idx.msk [tilespmem:v1+s4+$0x0], $0xffff;
	v1 =	vmov v23  }
0x10f: {  	v13 =	vld.idx.msk [tilespmem:v14+s4+$0x0], $0xffff;
	v9 =	vadd.f32 v8, v9  }
0x110: {  	v8 =	vld.idx.msk [tilespmem:v20+s4+$0x0], $0xffff  }
0x111: {  	v14 =	vadd.f32 $0.0e+00, v22;
	v11 =	vld.idx.msk [tilespmem:v11+s4+$0x0], $0xffff;
	v9 =	vadd.f32 v21, v9;
	_ =	sdelay $0x1  }
0x112: {  	v12 =	vadd.f32 v12, v14;
	v14 =	vld.idx.msk [tilespmem:v15+s4+$0x0], $0xffff;
	v15 =	vadd.f32 v24, v9;
	_ =	sdelay $0x1  }
.Ltmp2:
0x113: {  	v12 =	vadd.f32 v13, v12;
	v9 =	vld.idx.msk [tilespmem:v16+s4+$0x0], $0xffff;
	v13 =	vadd.f32 v10, v15;
	(pc) =	sbr.rel @p0 .LBB2_5-.Ltmp2, $3  }
0x114: {  	_ = 	snop  }
0x115: {  	v11 =	vadd.f32 v11, v12;
	v10 =	vld.idx.msk [tilespmem:v18+s4+$0x0], $0xffff;
	v12 =	vadd.f32 v17, v13;
	_ =	sdelay $0x1  }
0x116: {  	v13 =	vadd.f32 v14, v11;
	v11 =	vld.idx.msk [tilespmem:v19+s4+$0x0], $0xffff;
	v12 =	vsub.f32 $1.200000000e+01, v12  }
0x117: {  	_ = 	snop  }
0x118: {  	v0 =	vadd.f32 v9, v13;
	_ =	sdelay $0x1  }
0x119: {  	v0 =	vadd.f32 v10, v0  }
0x11a: {  	v7 =	vld.idx.msk [tilespmem:v7+s4+$0x0], $0xffff  }
0x11b: {  	v0 =	vadd.f32 v11, v0  }
0x11c: {  	v5 =	vld.idx.msk [tilespmem:v5+s4+$0x0], $0xffff  }
0x11d: {  	v0 =	vadd.f32 v8, v0  }
0x11e: {  	v4 =	vld.idx.msk [tilespmem:v4+s4+$0x0], $0xffff  }
0x11f: {  	v0 =	vadd.f32 v7, v0  }
0x120: {  	v3 =	vld.idx.msk [tilespmem:v3+s4+$0x0], $0xffff  }
0x121: {  	v0 =	vadd.f32 v5, v0  }
0x122: {  	v2 =	vld.idx.msk [tilespmem:v2+s4+$0x0], $0xffff  }
0x123: {  	v0 =	vadd.f32 v4, v0  }
0x124: {  	v1 =	vld.idx.msk [tilespmem:v1+s4+$0x0], $0xffff  }
0x125: {  	v0 =	vadd.f32 v3, v0  }
0x126: {  	v63 =	vld.idx.msk [tilespmem:v6+s4+$0x0], $0xffff  }
0x127: {  	v0 =	vadd.f32 v2, v0;
	_ =	sdelay $0x1  }
0x128: {  	v0 =	vadd.f32 v1, v0;
	_ =	sdelay $0x1  }
0x129: {  	v0 =	vadd.f32 v63, v0;
	_ =	sdelay $0x1  }
0x12a: {  	v0 =	vsub.f32 $1.200000000e+01, v0  }
0x12b: {  	s28 =	sadd.s32 $0x10, s5;
	s2 =	sadd.s32 s2, s3;
	[tilespmem:s5+$0x0] =	vst v12  }
0x12c: {  	s29 =	simm.s32 $0x0;
	s30 =	simm.s32 $0x8200;
	s31 =	simm.s32 $0x6;
	[tilespmem:s28+$0x0] =	vst v0  }
0x12d: {  	[hbm4b:s2+s29] =	stream.linear.scatter [tilespmem:s30], [sflag:$0x6], $0x40, $0x38;
	[tilespmem:$0x8280] =	vst v63  }
0x12e: {  	_ =	swait.ge [sflag:s31], $0x40  }
0x12f: {  	[sflag:s31] =	ssyncset.done $0x0  }
0x130: {  	[sflag:s31] =	ssyncadd.s32 $0xFFFFFFC0  }
0x131: {  	_ =	sfence.sel $0x180000  }
0x132: {  	[bflag:$0x0] =	sbarrier.arrive $0xFFFF  }
0x133: {  	p0 =	sne.s32 s1, $0x0;
	_ =	strace $0x90000047  }
0x134: {  	s0 =	sadd.s32 @!p0 $0x100000, s0;
	[bflag:$0x2] =	sbarrier.arrive $0xFFFF  }
0x135: {  	[sflag:s0] =	ssyncadd.tile.s32 @!p0 $0x1;
	_ =	shalt  }
.Lfunc_end2:
_tile_overlayer_lowered:
.L_overlay_start_2:
0x136: {  	(tag) =	ssettag $0x2  }
0x137: {  	s0 =	rddreg [dreg:$0x0];
	s2 =	stileid.u32  }
0x138: {  	s1 =	rddreg [dreg:$0x1];
	p0 =	sne.s32 s2, $0x0  }
0x139: {  	s3 =	rddreg [dreg:$0x2];
	[bflag:$0x3] =	sbarrier.arrive $0xFFFF;
	s2 =	simm.s32 @!p0 $0x1C06  }
0x13a: {  	[timem:s3], [sflag:s2] =	dma.local @!p0 [hbm:s0], s1  }
0x13b: {  	s0 =	simm.s32 @!p0 $0x6  }
0x13c: {  	_ =	swait.ge @!p0 [sflag:s0], s1  }
0x13d: {  	s1 =	ssub.s32 @!p0 $0x0, s1;
	[sflag:s0] =	ssyncset.done @!p0 $0x0  }
0x13e: {  	[sflag:s0] =	ssyncadd.s32 @!p0 s1  }
0x13f: {  	[bflag:$0x3] =	sbarrier.arrive $0xFFFF  }
0x140: {  	_ =	shalt  }

</sc_bundles>
